<compile_context>
chip_gen: v7x
topology: tpu7x:2x2x1
jax: 0.10.2.dev20260603
libtpu: 0.0.44.dev20260713+nightly
codegen_flags: <defaults>
</compile_context>

<pallas_src>
import jax
import jax.numpy as jnp
from jax import lax
from jax.experimental import pallas as pl
from jax.experimental.pallas import tpu as pltpu
from jax.experimental.pallas import tpu_sc as plsc

_B = 8
_D = 21
_H = 512
_W = 512
_S = _H * _W
_NW = 32
_CROWS = _B * _H // _NW
_K = 2048
_R = _K // _W
_NSUB = _CROWS // _R
_L = 16
_U = 4


def _sc_body(x_hbm, out_hbm,
             x0, x1, x2, x3, y0, y1,
             xs0, xs1, xs2, xs3, ys0, ys1):
    cid = lax.axis_index("c")
    sid = lax.axis_index("s")
    wid = sid * 2 + cid
    row0 = wid * _CROWS
    in_base = row0 * _W

    iota = lax.broadcasted_iota(jnp.int32, (_L,), 0)
    ones_v = jnp.ones((_L,), jnp.float32)
    zeros_v = jnp.zeros((_L,), jnp.float32)
    xbufs, xsems = (x0, x1, x2, x3), (xs0, xs1, xs2, xs3)
    ybufs, ysems = (y0, y1), (ys0, ys1)

    def xload(j, t):
        pltpu.async_copy(
            x_hbm.at[pl.ds(in_base + j * _K, _K)], xbufs[t], xsems[t]
        )

    def xwait(t):
        pltpu.make_async_copy(
            x_hbm.at[pl.ds(in_base, _K)], xbufs[t], xsems[t]
        ).wait()

    for yb in ybufs:
        def zrow(ch, _, yb=yb):
            for r in range(_R):
                def zcol(i, _, r=r):
                    base = i * (_L * _U)
                    for u in range(_U):
                        yb[ch, r, pl.ds(base + u * _L, _L)] = zeros_v
                    return 0
                lax.fori_loop(0, _W // (_L * _U), zcol, 0)
            return 0
        lax.fori_loop(0, _D, zrow, 0)

    for t in range(2):
        xload(t, t)

    def scatter_pass(yb, xb, val):
        def body(i, _):
            base = i * (_L * _U)
            for u in range(_U):
                xv = xb[pl.ds(base + u * _L, _L)]
                pos = base + u * _L + iota
                rowv = lax.shift_right_logical(pos, 9)
                colv = lax.bitwise_and(pos, _W - 1)
                plsc.store_scatter(yb, [xv, rowv, colv], val)
            return 0
        lax.fori_loop(0, _K // (_L * _U), body, 0)

    def drain(p):
        pltpu.make_async_copy(
            ybufs[p], out_hbm.at[0, :, pl.ds(0, _R), :], ysems[p]
        ).wait()

    def quad(qq, _):
        for t in range(4):
            p = t % 2
            j = 4 * qq + t
            yb = ybufs[p]

            def drain_restore(t=t, p=p):
                drain(p)
                scatter_pass(ybufs[p], xbufs[(t + 2) % 4], zeros_v)

            if t < 2:
                pl.when(qq > 0)(drain_restore)
            else:
                drain_restore()

            @pl.when(j + 2 < _NSUB)
            def _(t=t, j=j):
                xload(j + 2, (t + 2) % 4)

            xwait(t)
            scatter_pass(yb, xbufs[t], ones_v)
            grow = row0 + j * _R
            b = grow // _H
            r = grow - b * _H
            pltpu.async_copy(
                yb, out_hbm.at[b, :, pl.ds(r, _R), :], ysems[p]
            )
        return 0

    lax.fori_loop(0, _NSUB // 4, quad, 0)
    drain(0)
    drain(1)


def _sc_one_hot(x_flat):
    mesh = plsc.VectorSubcoreMesh(core_axis_name="c", subcore_axis_name="s")
    f = pl.kernel(
        _sc_body,
        out_type=jax.ShapeDtypeStruct((_B, _D, _H, _W), jnp.float32),
        mesh=mesh,
        scratch_types=[
            pltpu.VMEM((_K,), jnp.int32),
            pltpu.VMEM((_K,), jnp.int32),
            pltpu.VMEM((_K,), jnp.int32),
            pltpu.VMEM((_K,), jnp.int32),
            pltpu.VMEM((_D, _R, _W), jnp.float32),
            pltpu.VMEM((_D, _R, _W), jnp.float32),
            pltpu.SemaphoreType.DMA,
            pltpu.SemaphoreType.DMA,
            pltpu.SemaphoreType.DMA,
            pltpu.SemaphoreType.DMA,
            pltpu.SemaphoreType.DMA,
            pltpu.SemaphoreType.DMA,
        ],
        compiler_params=pltpu.CompilerParams(needs_layout_passes=False),
    )
    return f(x_flat)


def kernel(X_in, ones):
    del ones
    return _sc_one_hot(X_in.reshape(-1).astype(jnp.int32))

# --- scband reference (transcript-rebuilt; emitter-appended) ---
"""Pipeline reference for scband-one-hot-8839042695521 (READ-ONLY COPY).

The authoritative reference and input builder live on the scoring server;
editing this copy changes nothing except your own understanding.
"""

import jax, jax.numpy as jnp
import numpy as np


def setup_inputs(seed: int = 0) -> dict:
    key = jax.random.key(seed)
    k1, _ = jax.random.split(key)
    depth = 21
    X_in = jax.random.randint(k1, (8, 1, 512, 512), 0, depth, dtype=jnp.int64)
    ones = jnp.eye(depth, dtype=jnp.float32)
    return {"X_in": X_in, "ones": ones}


def reference(X_in, ones):
    depth = ones.shape[0]
    n_dim = X_in.ndim
    output_size = X_in.shape + (depth,)
    flat = X_in.reshape(-1).astype(jnp.int32)
    out1 = jnp.take(ones, flat, axis=0)
    out = out1.reshape(output_size)
    # permute(0, -1, *range(1, n_dim))
    out = jnp.transpose(out, (0, n_dim) + tuple(range(1, n_dim)))
    # squeeze(dim=2) -- only squeezes if that dim has size 1
    if out.shape[2] == 1:
        out = jnp.squeeze(out, axis=2)
    return out.astype(jnp.float32)

if __name__ == "__main__":
    import jax
    _d = setup_inputs()
    print(jax.jit(kernel)(*tuple(_d.values())))

</pallas_src>

<mosaic_0001>
#map = affine_map<(d0, d1) -> (0)>
#map1 = affine_map<(d0, d1) -> (0, 0, 0, 0)>
module attributes {stable_mosaic.version = 14 : i64} {
  func.func @_sc_body(%arg0: i32, %arg1: i32, %arg2: memref<2097152xi32, #tpu.memory_space<hbm>>, %arg3: memref<8x21x512x512xf32, #tpu.memory_space<hbm>>, %arg4: memref<2048xi32, #tpu.memory_space<vmem>>, %arg5: memref<2048xi32, #tpu.memory_space<vmem>>, %arg6: memref<2048xi32, #tpu.memory_space<vmem>>, %arg7: memref<2048xi32, #tpu.memory_space<vmem>>, %arg8: memref<21x4x512xf32, #tpu.memory_space<vmem>>, %arg9: memref<21x4x512xf32, #tpu.memory_space<vmem>>, %arg10: memref<!tpu.dma_semaphore, #tpu.memory_space<semaphore_mem>>, %arg11: memref<!tpu.dma_semaphore, #tpu.memory_space<semaphore_mem>>, %arg12: memref<!tpu.dma_semaphore, #tpu.memory_space<semaphore_mem>>, %arg13: memref<!tpu.dma_semaphore, #tpu.memory_space<semaphore_mem>>, %arg14: memref<!tpu.dma_semaphore, #tpu.memory_space<semaphore_mem>>, %arg15: memref<!tpu.dma_semaphore, #tpu.memory_space<semaphore_mem>>) attributes {dimension_semantics = [#tpu.dimension_semantics<core_parallel>, #tpu.dimension_semantics<subcore_parallel>], iteration_bounds = array<i64: 2, 16>, scalar_prefetch = 0 : i64, scratch_operands = 12 : i64, tpu.core_type = #tpu.core_type<sc_vector_subcore>, window_params = [{transform_indices = #map}, {transform_indices = #map1}]} {
    %mul3A = arith.constant 2 : i32
    %mul3A_0 = arith.muli %arg1, %mul3A : i32
    %add3A = arith.addi %mul3A_0, %arg0 : i32
    %mul3A_1 = arith.constant 128 : i32
    %mul3A_2 = arith.muli %add3A, %mul3A_1 : i32
    %mul3A_3 = arith.constant 512 : i32
    %mul3A_4 = arith.muli %mul3A_2, %mul3A_3 : i32
    %iota3A = tpu.iota {dimensions = array<i32: 0>} : vector<16xi32>
    %broadcast_in_dim3A = arith.constant 1.000000e+00 : f32
    %broadcast_in_dim3A_5 = vector.broadcast %broadcast_in_dim3A : f32 to vector<16xf32>
    %broadcast_in_dim3A_6 = arith.constant 0.000000e+00 : f32
    %broadcast_in_dim3A_7 = vector.broadcast %broadcast_in_dim3A_6 : f32 to vector<16xf32>
    %scan3A = arith.constant 0 : i32
    %scan3A_8 = arith.constant 0 : i32
    %scan3A_9 = arith.constant 21 : i32
    %scan3A_10 = arith.addi %scan3A_8, %scan3A_9 : i32
    %scan3A_11 = arith.constant 1 : i32
    %scan3A_12 = scf.for %scan3A_56 = %scan3A_8 to %scan3A_10 step %scan3A_11 iter_args(%scan3A_57 = %scan3A) -> (i32)  : i32 {
      %scan3A_58 = arith.constant 0 : i32
      %scan3A_59 = arith.constant 0 : i32
      %scan3A_60 = arith.constant 8 : i32
      %scan3A_61 = arith.addi %scan3A_59, %scan3A_60 : i32
      %scan3A_62 = arith.constant 1 : i32
      %scan3A_63 = scf.for %scan3A_87 = %scan3A_59 to %scan3A_61 step %scan3A_62 iter_args(%scan3A_88 = %scan3A_58) -> (i32)  : i32 {
        %mul3A_89 = arith.constant 64 : i32
        %mul3A_90 = arith.muli %scan3A_87, %mul3A_89 : i32
        %add3A_91 = arith.constant 0 : i32
        %add3A_92 = arith.addi %mul3A_90, %add3A_91 : i32
        %swap3A = arith.constant 0 : i32
        %swap3A_93 = arith.index_cast %scan3A_56 : i32 to index
        %swap3A_94 = arith.index_cast %swap3A : i32 to index
        %swap3A_95 = arith.index_cast %add3A_92 : i32 to index
        %swap3A_96 = tpu.vector_load %arg8[%swap3A_93, %swap3A_94, %swap3A_95] {strides = array<i32>} : memref<21x4x512xf32, #tpu.memory_space<vmem>>, vector<16xf32>,
        tpu.vector_store %arg8[%swap3A_93, %swap3A_94, %swap3A_95], %broadcast_in_dim3A_7 {strides = array<i32>} : memref<21x4x512xf32, #tpu.memory_space<vmem>>, vector<16xf32>,
        %add3A_97 = arith.constant 16 : i32
        %add3A_98 = arith.addi %mul3A_90, %add3A_97 : i32
        %swap3A_99 = arith.constant 0 : i32
        %swap3A_100 = arith.index_cast %scan3A_56 : i32 to index
        %swap3A_101 = arith.index_cast %swap3A_99 : i32 to index
        %swap3A_102 = arith.index_cast %add3A_98 : i32 to index
        %swap3A_103 = tpu.vector_load %arg8[%swap3A_100, %swap3A_101, %swap3A_102] {strides = array<i32>} : memref<21x4x512xf32, #tpu.memory_space<vmem>>, vector<16xf32>,
        tpu.vector_store %arg8[%swap3A_100, %swap3A_101, %swap3A_102], %broadcast_in_dim3A_7 {strides = array<i32>} : memref<21x4x512xf32, #tpu.memory_space<vmem>>, vector<16xf32>,
        %add3A_104 = arith.constant 32 : i32
        %add3A_105 = arith.addi %mul3A_90, %add3A_104 : i32
        %swap3A_106 = arith.constant 0 : i32
        %swap3A_107 = arith.index_cast %scan3A_56 : i32 to index
        %swap3A_108 = arith.index_cast %swap3A_106 : i32 to index
        %swap3A_109 = arith.index_cast %add3A_105 : i32 to index
        %swap3A_110 = tpu.vector_load %arg8[%swap3A_107, %swap3A_108, %swap3A_109] {strides = array<i32>} : memref<21x4x512xf32, #tpu.memory_space<vmem>>, vector<16xf32>,
        tpu.vector_store %arg8[%swap3A_107, %swap3A_108, %swap3A_109], %broadcast_in_dim3A_7 {strides = array<i32>} : memref<21x4x512xf32, #tpu.memory_space<vmem>>, vector<16xf32>,
        %add3A_111 = arith.constant 48 : i32
        %add3A_112 = arith.addi %mul3A_90, %add3A_111 : i32
        %swap3A_113 = arith.constant 0 : i32
        %swap3A_114 = arith.index_cast %scan3A_56 : i32 to index
        %swap3A_115 = arith.index_cast %swap3A_113 : i32 to index
        %swap3A_116 = arith.index_cast %add3A_112 : i32 to index
        %swap3A_117 = tpu.vector_load %arg8[%swap3A_114, %swap3A_115, %swap3A_116] {strides = array<i32>} : memref<21x4x512xf32, #tpu.memory_space<vmem>>, vector<16xf32>,
        tpu.vector_store %arg8[%swap3A_114, %swap3A_115, %swap3A_116], %broadcast_in_dim3A_7 {strides = array<i32>} : memref<21x4x512xf32, #tpu.memory_space<vmem>>, vector<16xf32>,
        %scan3A_118 = arith.constant 0 : i32
        scf.yield %scan3A_118 : i32
      }
      %scan3A_64 = arith.constant 8 : i32
      %scan3A_65 = arith.constant 0 : i32
      %scan3A_66 = arith.constant 0 : i32
      %scan3A_67 = arith.constant 8 : i32
      %scan3A_68 = arith.addi %scan3A_66, %scan3A_67 : i32
      %scan3A_69 = arith.constant 1 : i32
      %scan3A_70 = scf.for %scan3A_87 = %scan3A_66 to %scan3A_68 step %scan3A_69 iter_args(%scan3A_88 = %scan3A_65) -> (i32)  : i32 {
        %mul3A_89 = arith.constant 64 : i32
        %mul3A_90 = arith.muli %scan3A_87, %mul3A_89 : i32
        %add3A_91 = arith.constant 0 : i32
        %add3A_92 = arith.addi %mul3A_90, %add3A_91 : i32
        %swap3A = arith.constant 1 : i32
        %swap3A_93 = arith.index_cast %scan3A_56 : i32 to index
        %swap3A_94 = arith.index_cast %swap3A : i32 to index
        %swap3A_95 = arith.index_cast %add3A_92 : i32 to index
        %swap3A_96 = tpu.vector_load %arg8[%swap3A_93, %swap3A_94, %swap3A_95] {strides = array<i32>} : memref<21x4x512xf32, #tpu.memory_space<vmem>>, vector<16xf32>,
        tpu.vector_store %arg8[%swap3A_93, %swap3A_94, %swap3A_95], %broadcast_in_dim3A_7 {strides = array<i32>} : memref<21x4x512xf32, #tpu.memory_space<vmem>>, vector<16xf32>,
        %add3A_97 = arith.constant 16 : i32
        %add3A_98 = arith.addi %mul3A_90, %add3A_97 : i32
        %swap3A_99 = arith.constant 1 : i32
        %swap3A_100 = arith.index_cast %scan3A_56 : i32 to index
        %swap3A_101 = arith.index_cast %swap3A_99 : i32 to index
        %swap3A_102 = arith.index_cast %add3A_98 : i32 to index
        %swap3A_103 = tpu.vector_load %arg8[%swap3A_100, %swap3A_101, %swap3A_102] {strides = array<i32>} : memref<21x4x512xf32, #tpu.memory_space<vmem>>, vector<16xf32>,
        tpu.vector_store %arg8[%swap3A_100, %swap3A_101, %swap3A_102], %broadcast_in_dim3A_7 {strides = array<i32>} : memref<21x4x512xf32, #tpu.memory_space<vmem>>, vector<16xf32>,
        %add3A_104 = arith.constant 32 : i32
        %add3A_105 = arith.addi %mul3A_90, %add3A_104 : i32
        %swap3A_106 = arith.constant 1 : i32
        %swap3A_107 = arith.index_cast %scan3A_56 : i32 to index
        %swap3A_108 = arith.index_cast %swap3A_106 : i32 to index
        %swap3A_109 = arith.index_cast %add3A_105 : i32 to index
        %swap3A_110 = tpu.vector_load %arg8[%swap3A_107, %swap3A_108, %swap3A_109] {strides = array<i32>} : memref<21x4x512xf32, #tpu.memory_space<vmem>>, vector<16xf32>,
        tpu.vector_store %arg8[%swap3A_107, %swap3A_108, %swap3A_109], %broadcast_in_dim3A_7 {strides = array<i32>} : memref<21x4x512xf32, #tpu.memory_space<vmem>>, vector<16xf32>,
        %add3A_111 = arith.constant 48 : i32
        %add3A_112 = arith.addi %mul3A_90, %add3A_111 : i32
        %swap3A_113 = arith.constant 1 : i32
        %swap3A_114 = arith.index_cast %scan3A_56 : i32 to index
        %swap3A_115 = arith.index_cast %swap3A_113 : i32 to index
        %swap3A_116 = arith.index_cast %add3A_112 : i32 to index
        %swap3A_117 = tpu.vector_load %arg8[%swap3A_114, %swap3A_115, %swap3A_116] {strides = array<i32>} : memref<21x4x512xf32, #tpu.memory_space<vmem>>, vector<16xf32>,
        tpu.vector_store %arg8[%swap3A_114, %swap3A_115, %swap3A_116], %broadcast_in_dim3A_7 {strides = array<i32>} : memref<21x4x512xf32, #tpu.memory_space<vmem>>, vector<16xf32>,
        %scan3A_118 = arith.constant 0 : i32
        scf.yield %scan3A_118 : i32
      }
      %scan3A_71 = arith.constant 8 : i32
      %scan3A_72 = arith.constant 0 : i32
      %scan3A_73 = arith.constant 0 : i32
      %scan3A_74 = arith.constant 8 : i32
      %scan3A_75 = arith.addi %scan3A_73, %scan3A_74 : i32
      %scan3A_76 = arith.constant 1 : i32
      %scan3A_77 = scf.for %scan3A_87 = %scan3A_73 to %scan3A_75 step %scan3A_76 iter_args(%scan3A_88 = %scan3A_72) -> (i32)  : i32 {
        %mul3A_89 = arith.constant 64 : i32
        %mul3A_90 = arith.muli %scan3A_87, %mul3A_89 : i32
        %add3A_91 = arith.constant 0 : i32
        %add3A_92 = arith.addi %mul3A_90, %add3A_91 : i32
        %swap3A = arith.constant 2 : i32
        %swap3A_93 = arith.index_cast %scan3A_56 : i32 to index
        %swap3A_94 = arith.index_cast %swap3A : i32 to index
        %swap3A_95 = arith.index_cast %add3A_92 : i32 to index
        %swap3A_96 = tpu.vector_load %arg8[%swap3A_93, %swap3A_94, %swap3A_95] {strides = array<i32>} : memref<21x4x512xf32, #tpu.memory_space<vmem>>, vector<16xf32>,
        tpu.vector_store %arg8[%swap3A_93, %swap3A_94, %swap3A_95], %broadcast_in_dim3A_7 {strides = array<i32>} : memref<21x4x512xf32, #tpu.memory_space<vmem>>, vector<16xf32>,
        %add3A_97 = arith.constant 16 : i32
        %add3A_98 = arith.addi %mul3A_90, %add3A_97 : i32
        %swap3A_99 = arith.constant 2 : i32
        %swap3A_100 = arith.index_cast %scan3A_56 : i32 to index
        %swap3A_101 = arith.index_cast %swap3A_99 : i32 to index
        %swap3A_102 = arith.index_cast %add3A_98 : i32 to index
        %swap3A_103 = tpu.vector_load %arg8[%swap3A_100, %swap3A_101, %swap3A_102] {strides = array<i32>} : memref<21x4x512xf32, #tpu.memory_space<vmem>>, vector<16xf32>,
        tpu.vector_store %arg8[%swap3A_100, %swap3A_101, %swap3A_102], %broadcast_in_dim3A_7 {strides = array<i32>} : memref<21x4x512xf32, #tpu.memory_space<vmem>>, vector<16xf32>,
        %add3A_104 = arith.constant 32 : i32
        %add3A_105 = arith.addi %mul3A_90, %add3A_104 : i32
        %swap3A_106 = arith.constant 2 : i32
        %swap3A_107 = arith.index_cast %scan3A_56 : i32 to index
        %swap3A_108 = arith.index_cast %swap3A_106 : i32 to index
        %swap3A_109 = arith.index_cast %add3A_105 : i32 to index
        %swap3A_110 = tpu.vector_load %arg8[%swap3A_107, %swap3A_108, %swap3A_109] {strides = array<i32>} : memref<21x4x512xf32, #tpu.memory_space<vmem>>, vector<16xf32>,
        tpu.vector_store %arg8[%swap3A_107, %swap3A_108, %swap3A_109], %broadcast_in_dim3A_7 {strides = array<i32>} : memref<21x4x512xf32, #tpu.memory_space<vmem>>, vector<16xf32>,
        %add3A_111 = arith.constant 48 : i32
        %add3A_112 = arith.addi %mul3A_90, %add3A_111 : i32
        %swap3A_113 = arith.constant 2 : i32
        %swap3A_114 = arith.index_cast %scan3A_56 : i32 to index
        %swap3A_115 = arith.index_cast %swap3A_113 : i32 to index
        %swap3A_116 = arith.index_cast %add3A_112 : i32 to index
        %swap3A_117 = tpu.vector_load %arg8[%swap3A_114, %swap3A_115, %swap3A_116] {strides = array<i32>} : memref<21x4x512xf32, #tpu.memory_space<vmem>>, vector<16xf32>,
        tpu.vector_store %arg8[%swap3A_114, %swap3A_115, %swap3A_116], %broadcast_in_dim3A_7 {strides = array<i32>} : memref<21x4x512xf32, #tpu.memory_space<vmem>>, vector<16xf32>,
        %scan3A_118 = arith.constant 0 : i32
        scf.yield %scan3A_118 : i32
      }
      %scan3A_78 = arith.constant 8 : i32
      %scan3A_79 = arith.constant 0 : i32
      %scan3A_80 = arith.constant 0 : i32
      %scan3A_81 = arith.constant 8 : i32
      %scan3A_82 = arith.addi %scan3A_80, %scan3A_81 : i32
      %scan3A_83 = arith.constant 1 : i32
      %scan3A_84 = scf.for %scan3A_87 = %scan3A_80 to %scan3A_82 step %scan3A_83 iter_args(%scan3A_88 = %scan3A_79) -> (i32)  : i32 {
        %mul3A_89 = arith.constant 64 : i32
        %mul3A_90 = arith.muli %scan3A_87, %mul3A_89 : i32
        %add3A_91 = arith.constant 0 : i32
        %add3A_92 = arith.addi %mul3A_90, %add3A_91 : i32
        %swap3A = arith.constant 3 : i32
        %swap3A_93 = arith.index_cast %scan3A_56 : i32 to index
        %swap3A_94 = arith.index_cast %swap3A : i32 to index
        %swap3A_95 = arith.index_cast %add3A_92 : i32 to index
        %swap3A_96 = tpu.vector_load %arg8[%swap3A_93, %swap3A_94, %swap3A_95] {strides = array<i32>} : memref<21x4x512xf32, #tpu.memory_space<vmem>>, vector<16xf32>,
        tpu.vector_store %arg8[%swap3A_93, %swap3A_94, %swap3A_95], %broadcast_in_dim3A_7 {strides = array<i32>} : memref<21x4x512xf32, #tpu.memory_space<vmem>>, vector<16xf32>,
        %add3A_97 = arith.constant 16 : i32
        %add3A_98 = arith.addi %mul3A_90, %add3A_97 : i32
        %swap3A_99 = arith.constant 3 : i32
        %swap3A_100 = arith.index_cast %scan3A_56 : i32 to index
        %swap3A_101 = arith.index_cast %swap3A_99 : i32 to index
        %swap3A_102 = arith.index_cast %add3A_98 : i32 to index
        %swap3A_103 = tpu.vector_load %arg8[%swap3A_100, %swap3A_101, %swap3A_102] {strides = array<i32>} : memref<21x4x512xf32, #tpu.memory_space<vmem>>, vector<16xf32>,
        tpu.vector_store %arg8[%swap3A_100, %swap3A_101, %swap3A_102], %broadcast_in_dim3A_7 {strides = array<i32>} : memref<21x4x512xf32, #tpu.memory_space<vmem>>, vector<16xf32>,
        %add3A_104 = arith.constant 32 : i32
        %add3A_105 = arith.addi %mul3A_90, %add3A_104 : i32
        %swap3A_106 = arith.constant 3 : i32
        %swap3A_107 = arith.index_cast %scan3A_56 : i32 to index
        %swap3A_108 = arith.index_cast %swap3A_106 : i32 to index
        %swap3A_109 = arith.index_cast %add3A_105 : i32 to index
        %swap3A_110 = tpu.vector_load %arg8[%swap3A_107, %swap3A_108, %swap3A_109] {strides = array<i32>} : memref<21x4x512xf32, #tpu.memory_space<vmem>>, vector<16xf32>,
        tpu.vector_store %arg8[%swap3A_107, %swap3A_108, %swap3A_109], %broadcast_in_dim3A_7 {strides = array<i32>} : memref<21x4x512xf32, #tpu.memory_space<vmem>>, vector<16xf32>,
        %add3A_111 = arith.constant 48 : i32
        %add3A_112 = arith.addi %mul3A_90, %add3A_111 : i32
        %swap3A_113 = arith.constant 3 : i32
        %swap3A_114 = arith.index_cast %scan3A_56 : i32 to index
        %swap3A_115 = arith.index_cast %swap3A_113 : i32 to index
        %swap3A_116 = arith.index_cast %add3A_112 : i32 to index
        %swap3A_117 = tpu.vector_load %arg8[%swap3A_114, %swap3A_115, %swap3A_116] {strides = array<i32>} : memref<21x4x512xf32, #tpu.memory_space<vmem>>, vector<16xf32>,
        tpu.vector_store %arg8[%swap3A_114, %swap3A_115, %swap3A_116], %broadcast_in_dim3A_7 {strides = array<i32>} : memref<21x4x512xf32, #tpu.memory_space<vmem>>, vector<16xf32>,
        %scan3A_118 = arith.constant 0 : i32
        scf.yield %scan3A_118 : i32
      }
      %scan3A_85 = arith.constant 8 : i32
      %scan3A_86 = arith.constant 0 : i32
      scf.yield %scan3A_86 : i32
    }
    %scan3A_13 = arith.constant 21 : i32
    %scan3A_14 = arith.constant 0 : i32
    %scan3A_15 = arith.constant 0 : i32
    %scan3A_16 = arith.constant 21 : i32
    %scan3A_17 = arith.addi %scan3A_15, %scan3A_16 : i32
    %scan3A_18 = arith.constant 1 : i32
    %scan3A_19 = scf.for %scan3A_56 = %scan3A_15 to %scan3A_17 step %scan3A_18 iter_args(%scan3A_57 = %scan3A_14) -> (i32)  : i32 {
      %scan3A_58 = arith.constant 0 : i32
      %scan3A_59 = arith.constant 0 : i32
      %scan3A_60 = arith.constant 8 : i32
      %scan3A_61 = arith.addi %scan3A_59, %scan3A_60 : i32
      %scan3A_62 = arith.constant 1 : i32
      %scan3A_63 = scf.for %scan3A_87 = %scan3A_59 to %scan3A_61 step %scan3A_62 iter_args(%scan3A_88 = %scan3A_58) -> (i32)  : i32 {
        %mul3A_89 = arith.constant 64 : i32
        %mul3A_90 = arith.muli %scan3A_87, %mul3A_89 : i32
        %add3A_91 = arith.constant 0 : i32
        %add3A_92 = arith.addi %mul3A_90, %add3A_91 : i32
        %swap3A = arith.constant 0 : i32
        %swap3A_93 = arith.index_cast %scan3A_56 : i32 to index
        %swap3A_94 = arith.index_cast %swap3A : i32 to index
        %swap3A_95 = arith.index_cast %add3A_92 : i32 to index
        %swap3A_96 = tpu.vector_load %arg9[%swap3A_93, %swap3A_94, %swap3A_95] {strides = array<i32>} : memref<21x4x512xf32, #tpu.memory_space<vmem>>, vector<16xf32>,
        tpu.vector_store %arg9[%swap3A_93, %swap3A_94, %swap3A_95], %broadcast_in_dim3A_7 {strides = array<i32>} : memref<21x4x512xf32, #tpu.memory_space<vmem>>, vector<16xf32>,
        %add3A_97 = arith.constant 16 : i32
        %add3A_98 = arith.addi %mul3A_90, %add3A_97 : i32
        %swap3A_99 = arith.constant 0 : i32
        %swap3A_100 = arith.index_cast %scan3A_56 : i32 to index
        %swap3A_101 = arith.index_cast %swap3A_99 : i32 to index
        %swap3A_102 = arith.index_cast %add3A_98 : i32 to index
        %swap3A_103 = tpu.vector_load %arg9[%swap3A_100, %swap3A_101, %swap3A_102] {strides = array<i32>} : memref<21x4x512xf32, #tpu.memory_space<vmem>>, vector<16xf32>,
        tpu.vector_store %arg9[%swap3A_100, %swap3A_101, %swap3A_102], %broadcast_in_dim3A_7 {strides = array<i32>} : memref<21x4x512xf32, #tpu.memory_space<vmem>>, vector<16xf32>,
        %add3A_104 = arith.constant 32 : i32
        %add3A_105 = arith.addi %mul3A_90, %add3A_104 : i32
        %swap3A_106 = arith.constant 0 : i32
        %swap3A_107 = arith.index_cast %scan3A_56 : i32 to index
        %swap3A_108 = arith.index_cast %swap3A_106 : i32 to index
        %swap3A_109 = arith.index_cast %add3A_105 : i32 to index
        %swap3A_110 = tpu.vector_load %arg9[%swap3A_107, %swap3A_108, %swap3A_109] {strides = array<i32>} : memref<21x4x512xf32, #tpu.memory_space<vmem>>, vector<16xf32>,
        tpu.vector_store %arg9[%swap3A_107, %swap3A_108, %swap3A_109], %broadcast_in_dim3A_7 {strides = array<i32>} : memref<21x4x512xf32, #tpu.memory_space<vmem>>, vector<16xf32>,
        %add3A_111 = arith.constant 48 : i32
        %add3A_112 = arith.addi %mul3A_90, %add3A_111 : i32
        %swap3A_113 = arith.constant 0 : i32
        %swap3A_114 = arith.index_cast %scan3A_56 : i32 to index
        %swap3A_115 = arith.index_cast %swap3A_113 : i32 to index
        %swap3A_116 = arith.index_cast %add3A_112 : i32 to index
        %swap3A_117 = tpu.vector_load %arg9[%swap3A_114, %swap3A_115, %swap3A_116] {strides = array<i32>} : memref<21x4x512xf32, #tpu.memory_space<vmem>>, vector<16xf32>,
        tpu.vector_store %arg9[%swap3A_114, %swap3A_115, %swap3A_116], %broadcast_in_dim3A_7 {strides = array<i32>} : memref<21x4x512xf32, #tpu.memory_space<vmem>>, vector<16xf32>,
        %scan3A_118 = arith.constant 0 : i32
        scf.yield %scan3A_118 : i32
      }
      %scan3A_64 = arith.constant 8 : i32
      %scan3A_65 = arith.constant 0 : i32
      %scan3A_66 = arith.constant 0 : i32
      %scan3A_67 = arith.constant 8 : i32
      %scan3A_68 = arith.addi %scan3A_66, %scan3A_67 : i32
      %scan3A_69 = arith.constant 1 : i32
      %scan3A_70 = scf.for %scan3A_87 = %scan3A_66 to %scan3A_68 step %scan3A_69 iter_args(%scan3A_88 = %scan3A_65) -> (i32)  : i32 {
        %mul3A_89 = arith.constant 64 : i32
        %mul3A_90 = arith.muli %scan3A_87, %mul3A_89 : i32
        %add3A_91 = arith.constant 0 : i32
        %add3A_92 = arith.addi %mul3A_90, %add3A_91 : i32
        %swap3A = arith.constant 1 : i32
        %swap3A_93 = arith.index_cast %scan3A_56 : i32 to index
        %swap3A_94 = arith.index_cast %swap3A : i32 to index
        %swap3A_95 = arith.index_cast %add3A_92 : i32 to index
        %swap3A_96 = tpu.vector_load %arg9[%swap3A_93, %swap3A_94, %swap3A_95] {strides = array<i32>} : memref<21x4x512xf32, #tpu.memory_space<vmem>>, vector<16xf32>,
        tpu.vector_store %arg9[%swap3A_93, %swap3A_94, %swap3A_95], %broadcast_in_dim3A_7 {strides = array<i32>} : memref<21x4x512xf32, #tpu.memory_space<vmem>>, vector<16xf32>,
        %add3A_97 = arith.constant 16 : i32
        %add3A_98 = arith.addi %mul3A_90, %add3A_97 : i32
        %swap3A_99 = arith.constant 1 : i32
        %swap3A_100 = arith.index_cast %scan3A_56 : i32 to index
        %swap3A_101 = arith.index_cast %swap3A_99 : i32 to index
        %swap3A_102 = arith.index_cast %add3A_98 : i32 to index
        %swap3A_103 = tpu.vector_load %arg9[%swap3A_100, %swap3A_101, %swap3A_102] {strides = array<i32>} : memref<21x4x512xf32, #tpu.memory_space<vmem>>, vector<16xf32>,
        tpu.vector_store %arg9[%swap3A_100, %swap3A_101, %swap3A_102], %broadcast_in_dim3A_7 {strides = array<i32>} : memref<21x4x512xf32, #tpu.memory_space<vmem>>, vector<16xf32>,
        %add3A_104 = arith.constant 32 : i32
        %add3A_105 = arith.addi %mul3A_90, %add3A_104 : i32
        %swap3A_106 = arith.constant 1 : i32
        %swap3A_107 = arith.index_cast %scan3A_56 : i32 to index
        %swap3A_108 = arith.index_cast %swap3A_106 : i32 to index
        %swap3A_109 = arith.index_cast %add3A_105 : i32 to index
        %swap3A_110 = tpu.vector_load %arg9[%swap3A_107, %swap3A_108, %swap3A_109] {strides = array<i32>} : memref<21x4x512xf32, #tpu.memory_space<vmem>>, vector<16xf32>,
        tpu.vector_store %arg9[%swap3A_107, %swap3A_108, %swap3A_109], %broadcast_in_dim3A_7 {strides = array<i32>} : memref<21x4x512xf32, #tpu.memory_space<vmem>>, vector<16xf32>,
        %add3A_111 = arith.constant 48 : i32
        %add3A_112 = arith.addi %mul3A_90, %add3A_111 : i32
        %swap3A_113 = arith.constant 1 : i32
        %swap3A_114 = arith.index_cast %scan3A_56 : i32 to index
        %swap3A_115 = arith.index_cast %swap3A_113 : i32 to index
        %swap3A_116 = arith.index_cast %add3A_112 : i32 to index
        %swap3A_117 = tpu.vector_load %arg9[%swap3A_114, %swap3A_115, %swap3A_116] {strides = array<i32>} : memref<21x4x512xf32, #tpu.memory_space<vmem>>, vector<16xf32>,
        tpu.vector_store %arg9[%swap3A_114, %swap3A_115, %swap3A_116], %broadcast_in_dim3A_7 {strides = array<i32>} : memref<21x4x512xf32, #tpu.memory_space<vmem>>, vector<16xf32>,
        %scan3A_118 = arith.constant 0 : i32
        scf.yield %scan3A_118 : i32
      }
      %scan3A_71 = arith.constant 8 : i32
      %scan3A_72 = arith.constant 0 : i32
      %scan3A_73 = arith.constant 0 : i32
      %scan3A_74 = arith.constant 8 : i32
      %scan3A_75 = arith.addi %scan3A_73, %scan3A_74 : i32
      %scan3A_76 = arith.constant 1 : i32
      %scan3A_77 = scf.for %scan3A_87 = %scan3A_73 to %scan3A_75 step %scan3A_76 iter_args(%scan3A_88 = %scan3A_72) -> (i32)  : i32 {
        %mul3A_89 = arith.constant 64 : i32
        %mul3A_90 = arith.muli %scan3A_87, %mul3A_89 : i32
        %add3A_91 = arith.constant 0 : i32
        %add3A_92 = arith.addi %mul3A_90, %add3A_91 : i32
        %swap3A = arith.constant 2 : i32
        %swap3A_93 = arith.index_cast %scan3A_56 : i32 to index
        %swap3A_94 = arith.index_cast %swap3A : i32 to index
        %swap3A_95 = arith.index_cast %add3A_92 : i32 to index
        %swap3A_96 = tpu.vector_load %arg9[%swap3A_93, %swap3A_94, %swap3A_95] {strides = array<i32>} : memref<21x4x512xf32, #tpu.memory_space<vmem>>, vector<16xf32>,
        tpu.vector_store %arg9[%swap3A_93, %swap3A_94, %swap3A_95], %broadcast_in_dim3A_7 {strides = array<i32>} : memref<21x4x512xf32, #tpu.memory_space<vmem>>, vector<16xf32>,
        %add3A_97 = arith.constant 16 : i32
        %add3A_98 = arith.addi %mul3A_90, %add3A_97 : i32
        %swap3A_99 = arith.constant 2 : i32
        %swap3A_100 = arith.index_cast %scan3A_56 : i32 to index
        %swap3A_101 = arith.index_cast %swap3A_99 : i32 to index
        %swap3A_102 = arith.index_cast %add3A_98 : i32 to index
        %swap3A_103 = tpu.vector_load %arg9[%swap3A_100, %swap3A_101, %swap3A_102] {strides = array<i32>} : memref<21x4x512xf32, #tpu.memory_space<vmem>>, vector<16xf32>,
        tpu.vector_store %arg9[%swap3A_100, %swap3A_101, %swap3A_102], %broadcast_in_dim3A_7 {strides = array<i32>} : memref<21x4x512xf32, #tpu.memory_space<vmem>>, vector<16xf32>,
        %add3A_104 = arith.constant 32 : i32
        %add3A_105 = arith.addi %mul3A_90, %add3A_104 : i32
        %swap3A_106 = arith.constant 2 : i32
        %swap3A_107 = arith.index_cast %scan3A_56 : i32 to index
        %swap3A_108 = arith.index_cast %swap3A_106 : i32 to index
        %swap3A_109 = arith.index_cast %add3A_105 : i32 to index
        %swap3A_110 = tpu.vector_load %arg9[%swap3A_107, %swap3A_108, %swap3A_109] {strides = array<i32>} : memref<21x4x512xf32, #tpu.memory_space<vmem>>, vector<16xf32>,
        tpu.vector_store %arg9[%swap3A_107, %swap3A_108, %swap3A_109], %broadcast_in_dim3A_7 {strides = array<i32>} : memref<21x4x512xf32, #tpu.memory_space<vmem>>, vector<16xf32>,
        %add3A_111 = arith.constant 48 : i32
        %add3A_112 = arith.addi %mul3A_90, %add3A_111 : i32
        %swap3A_113 = arith.constant 2 : i32
        %swap3A_114 = arith.index_cast %scan3A_56 : i32 to index
        %swap3A_115 = arith.index_cast %swap3A_113 : i32 to index
        %swap3A_116 = arith.index_cast %add3A_112 : i32 to index
        %swap3A_117 = tpu.vector_load %arg9[%swap3A_114, %swap3A_115, %swap3A_116] {strides = array<i32>} : memref<21x4x512xf32, #tpu.memory_space<vmem>>, vector<16xf32>,
        tpu.vector_store %arg9[%swap3A_114, %swap3A_115, %swap3A_116], %broadcast_in_dim3A_7 {strides = array<i32>} : memref<21x4x512xf32, #tpu.memory_space<vmem>>, vector<16xf32>,
        %scan3A_118 = arith.constant 0 : i32
        scf.yield %scan3A_118 : i32
      }
      %scan3A_78 = arith.constant 8 : i32
      %scan3A_79 = arith.constant 0 : i32
      %scan3A_80 = arith.constant 0 : i32
      %scan3A_81 = arith.constant 8 : i32
      %scan3A_82 = arith.addi %scan3A_80, %scan3A_81 : i32
      %scan3A_83 = arith.constant 1 : i32
      %scan3A_84 = scf.for %scan3A_87 = %scan3A_80 to %scan3A_82 step %scan3A_83 iter_args(%scan3A_88 = %scan3A_79) -> (i32)  : i32 {
        %mul3A_89 = arith.constant 64 : i32
        %mul3A_90 = arith.muli %scan3A_87, %mul3A_89 : i32
        %add3A_91 = arith.constant 0 : i32
        %add3A_92 = arith.addi %mul3A_90, %add3A_91 : i32
        %swap3A = arith.constant 3 : i32
        %swap3A_93 = arith.index_cast %scan3A_56 : i32 to index
        %swap3A_94 = arith.index_cast %swap3A : i32 to index
        %swap3A_95 = arith.index_cast %add3A_92 : i32 to index
        %swap3A_96 = tpu.vector_load %arg9[%swap3A_93, %swap3A_94, %swap3A_95] {strides = array<i32>} : memref<21x4x512xf32, #tpu.memory_space<vmem>>, vector<16xf32>,
        tpu.vector_store %arg9[%swap3A_93, %swap3A_94, %swap3A_95], %broadcast_in_dim3A_7 {strides = array<i32>} : memref<21x4x512xf32, #tpu.memory_space<vmem>>, vector<16xf32>,
        %add3A_97 = arith.constant 16 : i32
        %add3A_98 = arith.addi %mul3A_90, %add3A_97 : i32
        %swap3A_99 = arith.constant 3 : i32
        %swap3A_100 = arith.index_cast %scan3A_56 : i32 to index
        %swap3A_101 = arith.index_cast %swap3A_99 : i32 to index
        %swap3A_102 = arith.index_cast %add3A_98 : i32 to index
        %swap3A_103 = tpu.vector_load %arg9[%swap3A_100, %swap3A_101, %swap3A_102] {strides = array<i32>} : memref<21x4x512xf32, #tpu.memory_space<vmem>>, vector<16xf32>,
        tpu.vector_store %arg9[%swap3A_100, %swap3A_101, %swap3A_102], %broadcast_in_dim3A_7 {strides = array<i32>} : memref<21x4x512xf32, #tpu.memory_space<vmem>>, vector<16xf32>,
        %add3A_104 = arith.constant 32 : i32
        %add3A_105 = arith.addi %mul3A_90, %add3A_104 : i32
        %swap3A_106 = arith.constant 3 : i32
        %swap3A_107 = arith.index_cast %scan3A_56 : i32 to index
        %swap3A_108 = arith.index_cast %swap3A_106 : i32 to index
        %swap3A_109 = arith.index_cast %add3A_105 : i32 to index
        %swap3A_110 = tpu.vector_load %arg9[%swap3A_107, %swap3A_108, %swap3A_109] {strides = array<i32>} : memref<21x4x512xf32, #tpu.memory_space<vmem>>, vector<16xf32>,
        tpu.vector_store %arg9[%swap3A_107, %swap3A_108, %swap3A_109], %broadcast_in_dim3A_7 {strides = array<i32>} : memref<21x4x512xf32, #tpu.memory_space<vmem>>, vector<16xf32>,
        %add3A_111 = arith.constant 48 : i32
        %add3A_112 = arith.addi %mul3A_90, %add3A_111 : i32
        %swap3A_113 = arith.constant 3 : i32
        %swap3A_114 = arith.index_cast %scan3A_56 : i32 to index
        %swap3A_115 = arith.index_cast %swap3A_113 : i32 to index
        %swap3A_116 = arith.index_cast %add3A_112 : i32 to index
        %swap3A_117 = tpu.vector_load %arg9[%swap3A_114, %swap3A_115, %swap3A_116] {strides = array<i32>} : memref<21x4x512xf32, #tpu.memory_space<vmem>>, vector<16xf32>,
        tpu.vector_store %arg9[%swap3A_114, %swap3A_115, %swap3A_116], %broadcast_in_dim3A_7 {strides = array<i32>} : memref<21x4x512xf32, #tpu.memory_space<vmem>>, vector<16xf32>,
        %scan3A_118 = arith.constant 0 : i32
        scf.yield %scan3A_118 : i32
      }
      %scan3A_85 = arith.constant 8 : i32
      %scan3A_86 = arith.constant 0 : i32
      scf.yield %scan3A_86 : i32
    }
    %scan3A_20 = arith.constant 21 : i32
    %add3A_21 = arith.constant 0 : i32
    %add3A_22 = arith.addi %mul3A_4, %add3A_21 : i32
    %dma_start3A = tpu.memref_slice %arg2[%add3A_22] : memref<2097152xi32, #tpu.memory_space<hbm>> -> memref<2048xi32, #tpu.memory_space<hbm>>
    %dma_start3A_23 = tpu.memref_slice %arg2[%add3A_22] : memref<2097152xi32, #tpu.memory_space<hbm>> -> memref<2048xi32, #tpu.memory_space<hbm>>
    tpu.enqueue_dma source(%dma_start3A_23 : memref<2048xi32, #tpu.memory_space<hbm>>) target(%arg4 : memref<2048xi32, #tpu.memory_space<vmem>>) target_semaphore(%arg10 : memref<!tpu.dma_semaphore, #tpu.memory_space<semaphore_mem>>)
    %add3A_24 = arith.constant 2048 : i32
    %add3A_25 = arith.addi %mul3A_4, %add3A_24 : i32
    %dma_start3A_26 = tpu.memref_slice %arg2[%add3A_25] : memref<2097152xi32, #tpu.memory_space<hbm>> -> memref<2048xi32, #tpu.memory_space<hbm>>
    %dma_start3A_27 = tpu.memref_slice %arg2[%add3A_25] : memref<2097152xi32, #tpu.memory_space<hbm>> -> memref<2048xi32, #tpu.memory_space<hbm>>
    tpu.enqueue_dma source(%dma_start3A_27 : memref<2048xi32, #tpu.memory_space<hbm>>) target(%arg5 : memref<2048xi32, #tpu.memory_space<vmem>>) target_semaphore(%arg11 : memref<!tpu.dma_semaphore, #tpu.memory_space<semaphore_mem>>)
    %scan3A_28 = arith.constant 0 : i32
    %scan3A_29 = arith.constant 0 : i32
    %scan3A_30 = arith.constant 8 : i32
    %scan3A_31 = arith.addi %scan3A_29, %scan3A_30 : i32
    %scan3A_32 = arith.constant 1 : i32
    %scan3A_33 = scf.for %scan3A_56 = %scan3A_29 to %scan3A_31 step %scan3A_32 iter_args(%scan3A_57 = %scan3A_28) -> (i32)  : i32 {
      %mul3A_58 = arith.constant 4 : i32
      %mul3A_59 = arith.muli %mul3A_58, %scan3A_56 : i32
      %add3A_60 = arith.constant 0 : i32
      %add3A_61 = arith.addi %mul3A_59, %add3A_60 : i32
      %gt3A = arith.constant 0 : i32
      %gt3A_62 = arith.cmpi sgt, %scan3A_56, %gt3A : i32
      %convert_element_type3A = arith.extui %gt3A_62 : i1 to i32
      %cond3A = arith.constant 0 : i32
      %cond3A_63 = arith.cmpi ne, %convert_element_type3A, %cond3A : i32
      scf.if %cond3A_63 {
        %dma_wait3A_325 = arith.constant 0 : i32
        %dma_wait3A_326 = arith.constant 0 : i32
        %dma_wait3A_327 = arith.constant 0 : i32
        %dma_wait3A_328 = arith.constant 0 : i32
        %dma_wait3A_329 = tpu.memref_slice %arg3[%dma_wait3A_325, %dma_wait3A_326, %dma_wait3A_327, %dma_wait3A_328] : memref<8x21x512x512xf32, #tpu.memory_space<hbm>> -> memref<1x21x4x512xf32, #tpu.memory_space<hbm>>
        %dma_wait3A_330 = tpu.memref_squeeze %dma_wait3A_329 : memref<1x21x4x512xf32, #tpu.memory_space<hbm>> -> memref<21x4x512xf32, #tpu.memory_space<hbm>>
        %dma_wait3A_331 = arith.constant 0 : i32
        %dma_wait3A_332 = arith.constant 0 : i32
        %dma_wait3A_333 = arith.constant 0 : i32
        %dma_wait3A_334 = tpu.memref_slice %arg3[%dma_wait3A_325, %dma_wait3A_331, %dma_wait3A_332, %dma_wait3A_333] : memref<8x21x512x512xf32, #tpu.memory_space<hbm>> -> memref<1x21x4x512xf32, #tpu.memory_space<hbm>>
        %dma_wait3A_335 = tpu.memref_squeeze %dma_wait3A_334 : memref<1x21x4x512xf32, #tpu.memory_space<hbm>> -> memref<21x4x512xf32, #tpu.memory_space<hbm>>
        tpu.wait_dma2 semaphore(%arg14 : memref<!tpu.dma_semaphore, #tpu.memory_space<semaphore_mem>>) src(%arg8 : memref<21x4x512xf32, #tpu.memory_space<vmem>>) dst(%dma_wait3A_335 : memref<21x4x512xf32, #tpu.memory_space<hbm>>)
        %scan3A_336 = arith.constant 0 : i32
        %scan3A_337 = arith.constant 0 : i32
        %scan3A_338 = arith.constant 32 : i32
        %scan3A_339 = arith.addi %scan3A_337, %scan3A_338 : i32
        %scan3A_340 = arith.constant 1 : i32
        %scan3A_341 = scf.for %scan3A_343 = %scan3A_337 to %scan3A_339 step %scan3A_340 iter_args(%scan3A_344 = %scan3A_336) -> (i32)  : i32 {
          %mul3A_345 = arith.constant 64 : i32
          %mul3A_346 = arith.muli %scan3A_343, %mul3A_345 : i32
          %add3A_347 = arith.constant 0 : i32
          %add3A_348 = arith.addi %mul3A_346, %add3A_347 : i32
          %get3A = arith.index_cast %add3A_348 : i32 to index
          %get3A_349 = tpu.vector_load %arg6[%get3A] {strides = array<i32>} : memref<2048xi32, #tpu.memory_space<vmem>>, vector<16xi32>,
          %add3A_350 = arith.constant 0 : i32
          %add3A_351 = arith.addi %mul3A_346, %add3A_350 : i32
          %add3A_352 = vector.broadcast %add3A_351 : i32 to vector<16xi32>
          %add3A_353 = arith.addi %add3A_352, %iota3A : vector<16xi32>
          %shift_right_logical3A = arith.constant 9 : i32
          %shift_right_logical3A_354 = vector.broadcast %shift_right_logical3A : i32 to vector<16xi32>
          %shift_right_logical3A_355 = arith.shrui %add3A_353, %shift_right_logical3A_354 : vector<16xi32>
          %and3A_356 = arith.constant 511 : i32
          %and3A_357 = vector.broadcast %and3A_356 : i32 to vector<16xi32>
          %and3A_358 = arith.andi %add3A_353, %and3A_357 : vector<16xi32>
          tpu.vector_store_idx %arg8[%get3A_349, %shift_right_logical3A_355, %and3A_358], %broadcast_in_dim3A_7 : memref<21x4x512xf32, #tpu.memory_space<vmem>>[vector<16xi32>, vector<16xi32>, vector<16xi32>], vector<16xf32>,
          %add3A_359 = arith.constant 16 : i32
          %add3A_360 = arith.addi %mul3A_346, %add3A_359 : i32
          %get3A_361 = arith.index_cast %add3A_360 : i32 to index
          %get3A_362 = tpu.vector_load %arg6[%get3A_361] {strides = array<i32>} : memref<2048xi32, #tpu.memory_space<vmem>>, vector<16xi32>,
          %add3A_363 = arith.constant 16 : i32
          %add3A_364 = arith.addi %mul3A_346, %add3A_363 : i32
          %add3A_365 = vector.broadcast %add3A_364 : i32 to vector<16xi32>
          %add3A_366 = arith.addi %add3A_365, %iota3A : vector<16xi32>
          %shift_right_logical3A_367 = arith.constant 9 : i32
          %shift_right_logical3A_368 = vector.broadcast %shift_right_logical3A_367 : i32 to vector<16xi32>
          %shift_right_logical3A_369 = arith.shrui %add3A_366, %shift_right_logical3A_368 : vector<16xi32>
          %and3A_370 = arith.constant 511 : i32
          %and3A_371 = vector.broadcast %and3A_370 : i32 to vector<16xi32>
          %and3A_372 = arith.andi %add3A_366, %and3A_371 : vector<16xi32>
          tpu.vector_store_idx %arg8[%get3A_362, %shift_right_logical3A_369, %and3A_372], %broadcast_in_dim3A_7 : memref<21x4x512xf32, #tpu.memory_space<vmem>>[vector<16xi32>, vector<16xi32>, vector<16xi32>], vector<16xf32>,
          %add3A_373 = arith.constant 32 : i32
          %add3A_374 = arith.addi %mul3A_346, %add3A_373 : i32
          %get3A_375 = arith.index_cast %add3A_374 : i32 to index
          %get3A_376 = tpu.vector_load %arg6[%get3A_375] {strides = array<i32>} : memref<2048xi32, #tpu.memory_space<vmem>>, vector<16xi32>,
          %add3A_377 = arith.constant 32 : i32
          %add3A_378 = arith.addi %mul3A_346, %add3A_377 : i32
          %add3A_379 = vector.broadcast %add3A_378 : i32 to vector<16xi32>
          %add3A_380 = arith.addi %add3A_379, %iota3A : vector<16xi32>
          %shift_right_logical3A_381 = arith.constant 9 : i32
          %shift_right_logical3A_382 = vector.broadcast %shift_right_logical3A_381 : i32 to vector<16xi32>
          %shift_right_logical3A_383 = arith.shrui %add3A_380, %shift_right_logical3A_382 : vector<16xi32>
          %and3A_384 = arith.constant 511 : i32
          %and3A_385 = vector.broadcast %and3A_384 : i32 to vector<16xi32>
          %and3A_386 = arith.andi %add3A_380, %and3A_385 : vector<16xi32>
          tpu.vector_store_idx %arg8[%get3A_376, %shift_right_logical3A_383, %and3A_386], %broadcast_in_dim3A_7 : memref<21x4x512xf32, #tpu.memory_space<vmem>>[vector<16xi32>, vector<16xi32>, vector<16xi32>], vector<16xf32>,
          %add3A_387 = arith.constant 48 : i32
          %add3A_388 = arith.addi %mul3A_346, %add3A_387 : i32
          %get3A_389 = arith.index_cast %add3A_388 : i32 to index
          %get3A_390 = tpu.vector_load %arg6[%get3A_389] {strides = array<i32>} : memref<2048xi32, #tpu.memory_space<vmem>>, vector<16xi32>,
          %add3A_391 = arith.constant 48 : i32
          %add3A_392 = arith.addi %mul3A_346, %add3A_391 : i32
          %add3A_393 = vector.broadcast %add3A_392 : i32 to vector<16xi32>
          %add3A_394 = arith.addi %add3A_393, %iota3A : vector<16xi32>
          %shift_right_logical3A_395 = arith.constant 9 : i32
          %shift_right_logical3A_396 = vector.broadcast %shift_right_logical3A_395 : i32 to vector<16xi32>
          %shift_right_logical3A_397 = arith.shrui %add3A_394, %shift_right_logical3A_396 : vector<16xi32>
          %and3A_398 = arith.constant 511 : i32
          %and3A_399 = vector.broadcast %and3A_398 : i32 to vector<16xi32>
          %and3A_400 = arith.andi %add3A_394, %and3A_399 : vector<16xi32>
          tpu.vector_store_idx %arg8[%get3A_390, %shift_right_logical3A_397, %and3A_400], %broadcast_in_dim3A_7 : memref<21x4x512xf32, #tpu.memory_space<vmem>>[vector<16xi32>, vector<16xi32>, vector<16xi32>], vector<16xf32>,
          %scan3A_401 = arith.constant 0 : i32
          scf.yield %scan3A_401 : i32
        }
        %scan3A_342 = arith.constant 32 : i32
      } else {
      }
      %add3A_64 = arith.constant 2 : i32
      %add3A_65 = arith.addi %add3A_61, %add3A_64 : i32
      %lt3A = arith.constant 32 : i32
      %lt3A_66 = arith.cmpi slt, %add3A_65, %lt3A : i32
      %convert_element_type3A_67 = arith.extui %lt3A_66 : i1 to i32
      %cond3A_68 = arith.constant 0 : i32
      %cond3A_69 = arith.cmpi ne, %convert_element_type3A_67, %cond3A_68 : i32
      scf.if %cond3A_69 {
        %add3A_325 = arith.constant 2 : i32
        %add3A_326 = arith.addi %add3A_61, %add3A_325 : i32
        %mul3A_327 = arith.constant 2048 : i32
        %mul3A_328 = arith.muli %add3A_326, %mul3A_327 : i32
        %add3A_329 = arith.addi %mul3A_4, %mul3A_328 : i32
        %dma_start3A_330 = tpu.memref_slice %arg2[%add3A_329] : memref<2097152xi32, #tpu.memory_space<hbm>> -> memref<2048xi32, #tpu.memory_space<hbm>>
        %dma_start3A_331 = tpu.memref_slice %arg2[%add3A_329] : memref<2097152xi32, #tpu.memory_space<hbm>> -> memref<2048xi32, #tpu.memory_space<hbm>>
        tpu.enqueue_dma source(%dma_start3A_331 : memref<2048xi32, #tpu.memory_space<hbm>>) target(%arg6 : memref<2048xi32, #tpu.memory_space<vmem>>) target_semaphore(%arg12 : memref<!tpu.dma_semaphore, #tpu.memory_space<semaphore_mem>>)
      } else {
      }
      %dma_wait3A_70 = tpu.memref_slice %arg2[%mul3A_4] : memref<2097152xi32, #tpu.memory_space<hbm>> -> memref<2048xi32, #tpu.memory_space<hbm>>
      %dma_wait3A_71 = tpu.memref_slice %arg2[%mul3A_4] : memref<2097152xi32, #tpu.memory_space<hbm>> -> memref<2048xi32, #tpu.memory_space<hbm>>
      tpu.wait_dma2 semaphore(%arg10 : memref<!tpu.dma_semaphore, #tpu.memory_space<semaphore_mem>>) src(%dma_wait3A_71 : memref<2048xi32, #tpu.memory_space<hbm>>) dst(%arg4 : memref<2048xi32, #tpu.memory_space<vmem>>)
      %scan3A_72 = arith.constant 0 : i32
      %scan3A_73 = arith.constant 0 : i32
      %scan3A_74 = arith.constant 32 : i32
      %scan3A_75 = arith.addi %scan3A_73, %scan3A_74 : i32
      %scan3A_76 = arith.constant 1 : i32
      %scan3A_77 = scf.for %scan3A_325 = %scan3A_73 to %scan3A_75 step %scan3A_76 iter_args(%scan3A_326 = %scan3A_72) -> (i32)  : i32 {
        %mul3A_327 = arith.constant 64 : i32
        %mul3A_328 = arith.muli %scan3A_325, %mul3A_327 : i32
        %add3A_329 = arith.constant 0 : i32
        %add3A_330 = arith.addi %mul3A_328, %add3A_329 : i32
        %get3A = arith.index_cast %add3A_330 : i32 to index
        %get3A_331 = tpu.vector_load %arg4[%get3A] {strides = array<i32>} : memref<2048xi32, #tpu.memory_space<vmem>>, vector<16xi32>,
        %add3A_332 = arith.constant 0 : i32
        %add3A_333 = arith.addi %mul3A_328, %add3A_332 : i32
        %add3A_334 = vector.broadcast %add3A_333 : i32 to vector<16xi32>
        %add3A_335 = arith.addi %add3A_334, %iota3A : vector<16xi32>
        %shift_right_logical3A = arith.constant 9 : i32
        %shift_right_logical3A_336 = vector.broadcast %shift_right_logical3A : i32 to vector<16xi32>
        %shift_right_logical3A_337 = arith.shrui %add3A_335, %shift_right_logical3A_336 : vector<16xi32>
        %and3A_338 = arith.constant 511 : i32
        %and3A_339 = vector.broadcast %and3A_338 : i32 to vector<16xi32>
        %and3A_340 = arith.andi %add3A_335, %and3A_339 : vector<16xi32>
        tpu.vector_store_idx %arg8[%get3A_331, %shift_right_logical3A_337, %and3A_340], %broadcast_in_dim3A_5 : memref<21x4x512xf32, #tpu.memory_space<vmem>>[vector<16xi32>, vector<16xi32>, vector<16xi32>], vector<16xf32>,
        %add3A_341 = arith.constant 16 : i32
        %add3A_342 = arith.addi %mul3A_328, %add3A_341 : i32
        %get3A_343 = arith.index_cast %add3A_342 : i32 to index
        %get3A_344 = tpu.vector_load %arg4[%get3A_343] {strides = array<i32>} : memref<2048xi32, #tpu.memory_space<vmem>>, vector<16xi32>,
        %add3A_345 = arith.constant 16 : i32
        %add3A_346 = arith.addi %mul3A_328, %add3A_345 : i32
        %add3A_347 = vector.broadcast %add3A_346 : i32 to vector<16xi32>
        %add3A_348 = arith.addi %add3A_347, %iota3A : vector<16xi32>
        %shift_right_logical3A_349 = arith.constant 9 : i32
        %shift_right_logical3A_350 = vector.broadcast %shift_right_logical3A_349 : i32 to vector<16xi32>
        %shift_right_logical3A_351 = arith.shrui %add3A_348, %shift_right_logical3A_350 : vector<16xi32>
        %and3A_352 = arith.constant 511 : i32
        %and3A_353 = vector.broadcast %and3A_352 : i32 to vector<16xi32>
        %and3A_354 = arith.andi %add3A_348, %and3A_353 : vector<16xi32>
        tpu.vector_store_idx %arg8[%get3A_344, %shift_right_logical3A_351, %and3A_354], %broadcast_in_dim3A_5 : memref<21x4x512xf32, #tpu.memory_space<vmem>>[vector<16xi32>, vector<16xi32>, vector<16xi32>], vector<16xf32>,
        %add3A_355 = arith.constant 32 : i32
        %add3A_356 = arith.addi %mul3A_328, %add3A_355 : i32
        %get3A_357 = arith.index_cast %add3A_356 : i32 to index
        %get3A_358 = tpu.vector_load %arg4[%get3A_357] {strides = array<i32>} : memref<2048xi32, #tpu.memory_space<vmem>>, vector<16xi32>,
        %add3A_359 = arith.constant 32 : i32
        %add3A_360 = arith.addi %mul3A_328, %add3A_359 : i32
        %add3A_361 = vector.broadcast %add3A_360 : i32 to vector<16xi32>
        %add3A_362 = arith.addi %add3A_361, %iota3A : vector<16xi32>
        %shift_right_logical3A_363 = arith.constant 9 : i32
        %shift_right_logical3A_364 = vector.broadcast %shift_right_logical3A_363 : i32 to vector<16xi32>
        %shift_right_logical3A_365 = arith.shrui %add3A_362, %shift_right_logical3A_364 : vector<16xi32>
        %and3A_366 = arith.constant 511 : i32
        %and3A_367 = vector.broadcast %and3A_366 : i32 to vector<16xi32>
        %and3A_368 = arith.andi %add3A_362, %and3A_367 : vector<16xi32>
        tpu.vector_store_idx %arg8[%get3A_358, %shift_right_logical3A_365, %and3A_368], %broadcast_in_dim3A_5 : memref<21x4x512xf32, #tpu.memory_space<vmem>>[vector<16xi32>, vector<16xi32>, vector<16xi32>], vector<16xf32>,
        %add3A_369 = arith.constant 48 : i32
        %add3A_370 = arith.addi %mul3A_328, %add3A_369 : i32
        %get3A_371 = arith.index_cast %add3A_370 : i32 to index
        %get3A_372 = tpu.vector_load %arg4[%get3A_371] {strides = array<i32>} : memref<2048xi32, #tpu.memory_space<vmem>>, vector<16xi32>,
        %add3A_373 = arith.constant 48 : i32
        %add3A_374 = arith.addi %mul3A_328, %add3A_373 : i32
        %add3A_375 = vector.broadcast %add3A_374 : i32 to vector<16xi32>
        %add3A_376 = arith.addi %add3A_375, %iota3A : vector<16xi32>
        %shift_right_logical3A_377 = arith.constant 9 : i32
        %shift_right_logical3A_378 = vector.broadcast %shift_right_logical3A_377 : i32 to vector<16xi32>
        %shift_right_logical3A_379 = arith.shrui %add3A_376, %shift_right_logical3A_378 : vector<16xi32>
        %and3A_380 = arith.constant 511 : i32
        %and3A_381 = vector.broadcast %and3A_380 : i32 to vector<16xi32>
        %and3A_382 = arith.andi %add3A_376, %and3A_381 : vector<16xi32>
        tpu.vector_store_idx %arg8[%get3A_372, %shift_right_logical3A_379, %and3A_382], %broadcast_in_dim3A_5 : memref<21x4x512xf32, #tpu.memory_space<vmem>>[vector<16xi32>, vector<16xi32>, vector<16xi32>], vector<16xf32>,
        %scan3A_383 = arith.constant 0 : i32
        scf.yield %scan3A_383 : i32
      }
      %scan3A_78 = arith.constant 32 : i32
      %mul3A_79 = arith.constant 4 : i32
      %mul3A_80 = arith.muli %add3A_61, %mul3A_79 : i32
      %add3A_81 = arith.addi %mul3A_2, %mul3A_80 : i32
      %jit3A = arith.constant 512 : i32
      %div3A = arith.divsi %add3A_81, %jit3A : i32
      %sign3A = arith.constant 0 : i32
      %sign3A_82 = arith.cmpi sgt, %add3A_81, %sign3A : i32
      %sign3A_83 = arith.extui %sign3A_82 : i1 to i32
      %sign3A_84 = arith.constant 0 : i32
      %sign3A_85 = arith.cmpi slt, %add3A_81, %sign3A_84 : i32
      %sign3A_86 = arith.extui %sign3A_85 : i1 to i32
      %sign3A_87 = arith.subi %sign3A_83, %sign3A_86 : i32
      %sign3A_88 = arith.constant 0 : i32
      %sign3A_89 = arith.cmpi sgt, %jit3A, %sign3A_88 : i32
      %sign3A_90 = arith.extui %sign3A_89 : i1 to i32
      %sign3A_91 = arith.constant 0 : i32
      %sign3A_92 = arith.cmpi slt, %jit3A, %sign3A_91 : i32
      %sign3A_93 = arith.extui %sign3A_92 : i1 to i32
      %sign3A_94 = arith.subi %sign3A_90, %sign3A_93 : i32
      %ne3A = arith.cmpi ne, %sign3A_87, %sign3A_94 : i32
      %rem3A = arith.remsi %add3A_81, %jit3A : i32
      %ne3A_95 = arith.constant 0 : i32
      %ne3A_96 = arith.cmpi ne, %rem3A, %ne3A_95 : i32
      %and3A = arith.andi %ne3A, %ne3A_96 : i1
      %sub3A = arith.constant 1 : i32
      %sub3A_97 = arith.subi %div3A, %sub3A : i32
      %select_n3A = arith.select %and3A, %sub3A_97, %div3A : i32
      %mul3A_98 = arith.constant 512 : i32
      %mul3A_99 = arith.muli %select_n3A, %mul3A_98 : i32
      %sub3A_100 = arith.subi %add3A_81, %mul3A_99 : i32
      %dma_start3A_101 = arith.constant 0 : i32
      %dma_start3A_102 = arith.constant 0 : i32
      %dma_start3A_103 = tpu.memref_slice %arg3[%select_n3A, %dma_start3A_101, %sub3A_100, %dma_start3A_102] : memref<8x21x512x512xf32, #tpu.memory_space<hbm>> -> memref<1x21x4x512xf32, #tpu.memory_space<hbm>>
      %dma_start3A_104 = tpu.memref_squeeze %dma_start3A_103 : memref<1x21x4x512xf32, #tpu.memory_space<hbm>> -> memref<21x4x512xf32, #tpu.memory_space<hbm>>
      %dma_start3A_105 = arith.constant 0 : i32
      %dma_start3A_106 = arith.constant 0 : i32
      %dma_start3A_107 = tpu.memref_slice %arg3[%select_n3A, %dma_start3A_105, %sub3A_100, %dma_start3A_106] : memref<8x21x512x512xf32, #tpu.memory_space<hbm>> -> memref<1x21x4x512xf32, #tpu.memory_space<hbm>>
      %dma_start3A_108 = tpu.memref_squeeze %dma_start3A_107 : memref<1x21x4x512xf32, #tpu.memory_space<hbm>> -> memref<21x4x512xf32, #tpu.memory_space<hbm>>
      tpu.enqueue_dma source(%arg8 : memref<21x4x512xf32, #tpu.memory_space<vmem>>) target(%dma_start3A_108 : memref<21x4x512xf32, #tpu.memory_space<hbm>>) target_semaphore(%arg14 : memref<!tpu.dma_semaphore, #tpu.memory_space<semaphore_mem>>)
      %mul3A_109 = arith.constant 4 : i32
      %mul3A_110 = arith.muli %mul3A_109, %scan3A_56 : i32
      %add3A_111 = arith.constant 1 : i32
      %add3A_112 = arith.addi %mul3A_110, %add3A_111 : i32
      %gt3A_113 = arith.constant 0 : i32
      %gt3A_114 = arith.cmpi sgt, %scan3A_56, %gt3A_113 : i32
      %convert_element_type3A_115 = arith.extui %gt3A_114 : i1 to i32
      %cond3A_116 = arith.constant 0 : i32
      %cond3A_117 = arith.cmpi ne, %convert_element_type3A_115, %cond3A_116 : i32
      scf.if %cond3A_117 {
        %dma_wait3A_325 = arith.constant 0 : i32
        %dma_wait3A_326 = arith.constant 0 : i32
        %dma_wait3A_327 = arith.constant 0 : i32
        %dma_wait3A_328 = arith.constant 0 : i32
        %dma_wait3A_329 = tpu.memref_slice %arg3[%dma_wait3A_325, %dma_wait3A_326, %dma_wait3A_327, %dma_wait3A_328] : memref<8x21x512x512xf32, #tpu.memory_space<hbm>> -> memref<1x21x4x512xf32, #tpu.memory_space<hbm>>
        %dma_wait3A_330 = tpu.memref_squeeze %dma_wait3A_329 : memref<1x21x4x512xf32, #tpu.memory_space<hbm>> -> memref<21x4x512xf32, #tpu.memory_space<hbm>>
        %dma_wait3A_331 = arith.constant 0 : i32
        %dma_wait3A_332 = arith.constant 0 : i32
        %dma_wait3A_333 = arith.constant 0 : i32
        %dma_wait3A_334 = tpu.memref_slice %arg3[%dma_wait3A_325, %dma_wait3A_331, %dma_wait3A_332, %dma_wait3A_333] : memref<8x21x512x512xf32, #tpu.memory_space<hbm>> -> memref<1x21x4x512xf32, #tpu.memory_space<hbm>>
        %dma_wait3A_335 = tpu.memref_squeeze %dma_wait3A_334 : memref<1x21x4x512xf32, #tpu.memory_space<hbm>> -> memref<21x4x512xf32, #tpu.memory_space<hbm>>
        tpu.wait_dma2 semaphore(%arg15 : memref<!tpu.dma_semaphore, #tpu.memory_space<semaphore_mem>>) src(%arg9 : memref<21x4x512xf32, #tpu.memory_space<vmem>>) dst(%dma_wait3A_335 : memref<21x4x512xf32, #tpu.memory_space<hbm>>)
        %scan3A_336 = arith.constant 0 : i32
        %scan3A_337 = arith.constant 0 : i32
        %scan3A_338 = arith.constant 32 : i32
        %scan3A_339 = arith.addi %scan3A_337, %scan3A_338 : i32
        %scan3A_340 = arith.constant 1 : i32
        %scan3A_341 = scf.for %scan3A_343 = %scan3A_337 to %scan3A_339 step %scan3A_340 iter_args(%scan3A_344 = %scan3A_336) -> (i32)  : i32 {
          %mul3A_345 = arith.constant 64 : i32
          %mul3A_346 = arith.muli %scan3A_343, %mul3A_345 : i32
          %add3A_347 = arith.constant 0 : i32
          %add3A_348 = arith.addi %mul3A_346, %add3A_347 : i32
          %get3A = arith.index_cast %add3A_348 : i32 to index
          %get3A_349 = tpu.vector_load %arg7[%get3A] {strides = array<i32>} : memref<2048xi32, #tpu.memory_space<vmem>>, vector<16xi32>,
          %add3A_350 = arith.constant 0 : i32
          %add3A_351 = arith.addi %mul3A_346, %add3A_350 : i32
          %add3A_352 = vector.broadcast %add3A_351 : i32 to vector<16xi32>
          %add3A_353 = arith.addi %add3A_352, %iota3A : vector<16xi32>
          %shift_right_logical3A = arith.constant 9 : i32
          %shift_right_logical3A_354 = vector.broadcast %shift_right_logical3A : i32 to vector<16xi32>
          %shift_right_logical3A_355 = arith.shrui %add3A_353, %shift_right_logical3A_354 : vector<16xi32>
          %and3A_356 = arith.constant 511 : i32
          %and3A_357 = vector.broadcast %and3A_356 : i32 to vector<16xi32>
          %and3A_358 = arith.andi %add3A_353, %and3A_357 : vector<16xi32>
          tpu.vector_store_idx %arg9[%get3A_349, %shift_right_logical3A_355, %and3A_358], %broadcast_in_dim3A_7 : memref<21x4x512xf32, #tpu.memory_space<vmem>>[vector<16xi32>, vector<16xi32>, vector<16xi32>], vector<16xf32>,
          %add3A_359 = arith.constant 16 : i32
          %add3A_360 = arith.addi %mul3A_346, %add3A_359 : i32
          %get3A_361 = arith.index_cast %add3A_360 : i32 to index
          %get3A_362 = tpu.vector_load %arg7[%get3A_361] {strides = array<i32>} : memref<2048xi32, #tpu.memory_space<vmem>>, vector<16xi32>,
          %add3A_363 = arith.constant 16 : i32
          %add3A_364 = arith.addi %mul3A_346, %add3A_363 : i32
          %add3A_365 = vector.broadcast %add3A_364 : i32 to vector<16xi32>
          %add3A_366 = arith.addi %add3A_365, %iota3A : vector<16xi32>
          %shift_right_logical3A_367 = arith.constant 9 : i32
          %shift_right_logical3A_368 = vector.broadcast %shift_right_logical3A_367 : i32 to vector<16xi32>
          %shift_right_logical3A_369 = arith.shrui %add3A_366, %shift_right_logical3A_368 : vector<16xi32>
          %and3A_370 = arith.constant 511 : i32
          %and3A_371 = vector.broadcast %and3A_370 : i32 to vector<16xi32>
          %and3A_372 = arith.andi %add3A_366, %and3A_371 : vector<16xi32>
          tpu.vector_store_idx %arg9[%get3A_362, %shift_right_logical3A_369, %and3A_372], %broadcast_in_dim3A_7 : memref<21x4x512xf32, #tpu.memory_space<vmem>>[vector<16xi32>, vector<16xi32>, vector<16xi32>], vector<16xf32>,
          %add3A_373 = arith.constant 32 : i32
          %add3A_374 = arith.addi %mul3A_346, %add3A_373 : i32
          %get3A_375 = arith.index_cast %add3A_374 : i32 to index
          %get3A_376 = tpu.vector_load %arg7[%get3A_375] {strides = array<i32>} : memref<2048xi32, #tpu.memory_space<vmem>>, vector<16xi32>,
          %add3A_377 = arith.constant 32 : i32
          %add3A_378 = arith.addi %mul3A_346, %add3A_377 : i32
          %add3A_379 = vector.broadcast %add3A_378 : i32 to vector<16xi32>
          %add3A_380 = arith.addi %add3A_379, %iota3A : vector<16xi32>
          %shift_right_logical3A_381 = arith.constant 9 : i32
          %shift_right_logical3A_382 = vector.broadcast %shift_right_logical3A_381 : i32 to vector<16xi32>
          %shift_right_logical3A_383 = arith.shrui %add3A_380, %shift_right_logical3A_382 : vector<16xi32>
          %and3A_384 = arith.constant 511 : i32
          %and3A_385 = vector.broadcast %and3A_384 : i32 to vector<16xi32>
          %and3A_386 = arith.andi %add3A_380, %and3A_385 : vector<16xi32>
          tpu.vector_store_idx %arg9[%get3A_376, %shift_right_logical3A_383, %and3A_386], %broadcast_in_dim3A_7 : memref<21x4x512xf32, #tpu.memory_space<vmem>>[vector<16xi32>, vector<16xi32>, vector<16xi32>], vector<16xf32>,
          %add3A_387 = arith.constant 48 : i32
          %add3A_388 = arith.addi %mul3A_346, %add3A_387 : i32
          %get3A_389 = arith.index_cast %add3A_388 : i32 to index
          %get3A_390 = tpu.vector_load %arg7[%get3A_389] {strides = array<i32>} : memref<2048xi32, #tpu.memory_space<vmem>>, vector<16xi32>,
          %add3A_391 = arith.constant 48 : i32
          %add3A_392 = arith.addi %mul3A_346, %add3A_391 : i32
          %add3A_393 = vector.broadcast %add3A_392 : i32 to vector<16xi32>
          %add3A_394 = arith.addi %add3A_393, %iota3A : vector<16xi32>
          %shift_right_logical3A_395 = arith.constant 9 : i32
          %shift_right_logical3A_396 = vector.broadcast %shift_right_logical3A_395 : i32 to vector<16xi32>
          %shift_right_logical3A_397 = arith.shrui %add3A_394, %shift_right_logical3A_396 : vector<16xi32>
          %and3A_398 = arith.constant 511 : i32
          %and3A_399 = vector.broadcast %and3A_398 : i32 to vector<16xi32>
          %and3A_400 = arith.andi %add3A_394, %and3A_399 : vector<16xi32>
          tpu.vector_store_idx %arg9[%get3A_390, %shift_right_logical3A_397, %and3A_400], %broadcast_in_dim3A_7 : memref<21x4x512xf32, #tpu.memory_space<vmem>>[vector<16xi32>, vector<16xi32>, vector<16xi32>], vector<16xf32>,
          %scan3A_401 = arith.constant 0 : i32
          scf.yield %scan3A_401 : i32
        }
        %scan3A_342 = arith.constant 32 : i32
      } else {
      }
      %add3A_118 = arith.constant 2 : i32
      %add3A_119 = arith.addi %add3A_112, %add3A_118 : i32
      %lt3A_120 = arith.constant 32 : i32
      %lt3A_121 = arith.cmpi slt, %add3A_119, %lt3A_120 : i32
      %convert_element_type3A_122 = arith.extui %lt3A_121 : i1 to i32
      %cond3A_123 = arith.constant 0 : i32
      %cond3A_124 = arith.cmpi ne, %convert_element_type3A_122, %cond3A_123 : i32
      scf.if %cond3A_124 {
        %add3A_325 = arith.constant 2 : i32
        %add3A_326 = arith.addi %add3A_112, %add3A_325 : i32
        %mul3A_327 = arith.constant 2048 : i32
        %mul3A_328 = arith.muli %add3A_326, %mul3A_327 : i32
        %add3A_329 = arith.addi %mul3A_4, %mul3A_328 : i32
        %dma_start3A_330 = tpu.memref_slice %arg2[%add3A_329] : memref<2097152xi32, #tpu.memory_space<hbm>> -> memref<2048xi32, #tpu.memory_space<hbm>>
        %dma_start3A_331 = tpu.memref_slice %arg2[%add3A_329] : memref<2097152xi32, #tpu.memory_space<hbm>> -> memref<2048xi32, #tpu.memory_space<hbm>>
        tpu.enqueue_dma source(%dma_start3A_331 : memref<2048xi32, #tpu.memory_space<hbm>>) target(%arg7 : memref<2048xi32, #tpu.memory_space<vmem>>) target_semaphore(%arg13 : memref<!tpu.dma_semaphore, #tpu.memory_space<semaphore_mem>>)
      } else {
      }
      %dma_wait3A_125 = tpu.memref_slice %arg2[%mul3A_4] : memref<2097152xi32, #tpu.memory_space<hbm>> -> memref<2048xi32, #tpu.memory_space<hbm>>
      %dma_wait3A_126 = tpu.memref_slice %arg2[%mul3A_4] : memref<2097152xi32, #tpu.memory_space<hbm>> -> memref<2048xi32, #tpu.memory_space<hbm>>
      tpu.wait_dma2 semaphore(%arg11 : memref<!tpu.dma_semaphore, #tpu.memory_space<semaphore_mem>>) src(%dma_wait3A_126 : memref<2048xi32, #tpu.memory_space<hbm>>) dst(%arg5 : memref<2048xi32, #tpu.memory_space<vmem>>)
      %scan3A_127 = arith.constant 0 : i32
      %scan3A_128 = arith.constant 0 : i32
      %scan3A_129 = arith.constant 32 : i32
      %scan3A_130 = arith.addi %scan3A_128, %scan3A_129 : i32
      %scan3A_131 = arith.constant 1 : i32
      %scan3A_132 = scf.for %scan3A_325 = %scan3A_128 to %scan3A_130 step %scan3A_131 iter_args(%scan3A_326 = %scan3A_127) -> (i32)  : i32 {
        %mul3A_327 = arith.constant 64 : i32
        %mul3A_328 = arith.muli %scan3A_325, %mul3A_327 : i32
        %add3A_329 = arith.constant 0 : i32
        %add3A_330 = arith.addi %mul3A_328, %add3A_329 : i32
        %get3A = arith.index_cast %add3A_330 : i32 to index
        %get3A_331 = tpu.vector_load %arg5[%get3A] {strides = array<i32>} : memref<2048xi32, #tpu.memory_space<vmem>>, vector<16xi32>,
        %add3A_332 = arith.constant 0 : i32
        %add3A_333 = arith.addi %mul3A_328, %add3A_332 : i32
        %add3A_334 = vector.broadcast %add3A_333 : i32 to vector<16xi32>
        %add3A_335 = arith.addi %add3A_334, %iota3A : vector<16xi32>
        %shift_right_logical3A = arith.constant 9 : i32
        %shift_right_logical3A_336 = vector.broadcast %shift_right_logical3A : i32 to vector<16xi32>
        %shift_right_logical3A_337 = arith.shrui %add3A_335, %shift_right_logical3A_336 : vector<16xi32>
        %and3A_338 = arith.constant 511 : i32
        %and3A_339 = vector.broadcast %and3A_338 : i32 to vector<16xi32>
        %and3A_340 = arith.andi %add3A_335, %and3A_339 : vector<16xi32>
        tpu.vector_store_idx %arg9[%get3A_331, %shift_right_logical3A_337, %and3A_340], %broadcast_in_dim3A_5 : memref<21x4x512xf32, #tpu.memory_space<vmem>>[vector<16xi32>, vector<16xi32>, vector<16xi32>], vector<16xf32>,
        %add3A_341 = arith.constant 16 : i32
        %add3A_342 = arith.addi %mul3A_328, %add3A_341 : i32
        %get3A_343 = arith.index_cast %add3A_342 : i32 to index
        %get3A_344 = tpu.vector_load %arg5[%get3A_343] {strides = array<i32>} : memref<2048xi32, #tpu.memory_space<vmem>>, vector<16xi32>,
        %add3A_345 = arith.constant 16 : i32
        %add3A_346 = arith.addi %mul3A_328, %add3A_345 : i32
        %add3A_347 = vector.broadcast %add3A_346 : i32 to vector<16xi32>
        %add3A_348 = arith.addi %add3A_347, %iota3A : vector<16xi32>
        %shift_right_logical3A_349 = arith.constant 9 : i32
        %shift_right_logical3A_350 = vector.broadcast %shift_right_logical3A_349 : i32 to vector<16xi32>
        %shift_right_logical3A_351 = arith.shrui %add3A_348, %shift_right_logical3A_350 : vector<16xi32>
        %and3A_352 = arith.constant 511 : i32
        %and3A_353 = vector.broadcast %and3A_352 : i32 to vector<16xi32>
        %and3A_354 = arith.andi %add3A_348, %and3A_353 : vector<16xi32>
        tpu.vector_store_idx %arg9[%get3A_344, %shift_right_logical3A_351, %and3A_354], %broadcast_in_dim3A_5 : memref<21x4x512xf32, #tpu.memory_space<vmem>>[vector<16xi32>, vector<16xi32>, vector<16xi32>], vector<16xf32>,
        %add3A_355 = arith.constant 32 : i32
        %add3A_356 = arith.addi %mul3A_328, %add3A_355 : i32
        %get3A_357 = arith.index_cast %add3A_356 : i32 to index
        %get3A_358 = tpu.vector_load %arg5[%get3A_357] {strides = array<i32>} : memref<2048xi32, #tpu.memory_space<vmem>>, vector<16xi32>,
        %add3A_359 = arith.constant 32 : i32
        %add3A_360 = arith.addi %mul3A_328, %add3A_359 : i32
        %add3A_361 = vector.broadcast %add3A_360 : i32 to vector<16xi32>
        %add3A_362 = arith.addi %add3A_361, %iota3A : vector<16xi32>
        %shift_right_logical3A_363 = arith.constant 9 : i32
        %shift_right_logical3A_364 = vector.broadcast %shift_right_logical3A_363 : i32 to vector<16xi32>
        %shift_right_logical3A_365 = arith.shrui %add3A_362, %shift_right_logical3A_364 : vector<16xi32>
        %and3A_366 = arith.constant 511 : i32
        %and3A_367 = vector.broadcast %and3A_366 : i32 to vector<16xi32>
        %and3A_368 = arith.andi %add3A_362, %and3A_367 : vector<16xi32>
        tpu.vector_store_idx %arg9[%get3A_358, %shift_right_logical3A_365, %and3A_368], %broadcast_in_dim3A_5 : memref<21x4x512xf32, #tpu.memory_space<vmem>>[vector<16xi32>, vector<16xi32>, vector<16xi32>], vector<16xf32>,
        %add3A_369 = arith.constant 48 : i32
        %add3A_370 = arith.addi %mul3A_328, %add3A_369 : i32
        %get3A_371 = arith.index_cast %add3A_370 : i32 to index
        %get3A_372 = tpu.vector_load %arg5[%get3A_371] {strides = array<i32>} : memref<2048xi32, #tpu.memory_space<vmem>>, vector<16xi32>,
        %add3A_373 = arith.constant 48 : i32
        %add3A_374 = arith.addi %mul3A_328, %add3A_373 : i32
        %add3A_375 = vector.broadcast %add3A_374 : i32 to vector<16xi32>
        %add3A_376 = arith.addi %add3A_375, %iota3A : vector<16xi32>
        %shift_right_logical3A_377 = arith.constant 9 : i32
        %shift_right_logical3A_378 = vector.broadcast %shift_right_logical3A_377 : i32 to vector<16xi32>
        %shift_right_logical3A_379 = arith.shrui %add3A_376, %shift_right_logical3A_378 : vector<16xi32>
        %and3A_380 = arith.constant 511 : i32
        %and3A_381 = vector.broadcast %and3A_380 : i32 to vector<16xi32>
        %and3A_382 = arith.andi %add3A_376, %and3A_381 : vector<16xi32>
        tpu.vector_store_idx %arg9[%get3A_372, %shift_right_logical3A_379, %and3A_382], %broadcast_in_dim3A_5 : memref<21x4x512xf32, #tpu.memory_space<vmem>>[vector<16xi32>, vector<16xi32>, vector<16xi32>], vector<16xf32>,
        %scan3A_383 = arith.constant 0 : i32
        scf.yield %scan3A_383 : i32
      }
      %scan3A_133 = arith.constant 32 : i32
      %mul3A_134 = arith.constant 4 : i32
      %mul3A_135 = arith.muli %add3A_112, %mul3A_134 : i32
      %add3A_136 = arith.addi %mul3A_2, %mul3A_135 : i32
      %jit3A_137 = arith.constant 512 : i32
      %div3A_138 = arith.divsi %add3A_136, %jit3A_137 : i32
      %sign3A_139 = arith.constant 0 : i32
      %sign3A_140 = arith.cmpi sgt, %add3A_136, %sign3A_139 : i32
      %sign3A_141 = arith.extui %sign3A_140 : i1 to i32
      %sign3A_142 = arith.constant 0 : i32
      %sign3A_143 = arith.cmpi slt, %add3A_136, %sign3A_142 : i32
      %sign3A_144 = arith.extui %sign3A_143 : i1 to i32
      %sign3A_145 = arith.subi %sign3A_141, %sign3A_144 : i32
      %sign3A_146 = arith.constant 0 : i32
      %sign3A_147 = arith.cmpi sgt, %jit3A_137, %sign3A_146 : i32
      %sign3A_148 = arith.extui %sign3A_147 : i1 to i32
      %sign3A_149 = arith.constant 0 : i32
      %sign3A_150 = arith.cmpi slt, %jit3A_137, %sign3A_149 : i32
      %sign3A_151 = arith.extui %sign3A_150 : i1 to i32
      %sign3A_152 = arith.subi %sign3A_148, %sign3A_151 : i32
      %ne3A_153 = arith.cmpi ne, %sign3A_145, %sign3A_152 : i32
      %rem3A_154 = arith.remsi %add3A_136, %jit3A_137 : i32
      %ne3A_155 = arith.constant 0 : i32
      %ne3A_156 = arith.cmpi ne, %rem3A_154, %ne3A_155 : i32
      %and3A_157 = arith.andi %ne3A_153, %ne3A_156 : i1
      %sub3A_158 = arith.constant 1 : i32
      %sub3A_159 = arith.subi %div3A_138, %sub3A_158 : i32
      %select_n3A_160 = arith.select %and3A_157, %sub3A_159, %div3A_138 : i32
      %mul3A_161 = arith.constant 512 : i32
      %mul3A_162 = arith.muli %select_n3A_160, %mul3A_161 : i32
      %sub3A_163 = arith.subi %add3A_136, %mul3A_162 : i32
      %dma_start3A_164 = arith.constant 0 : i32
      %dma_start3A_165 = arith.constant 0 : i32
      %dma_start3A_166 = tpu.memref_slice %arg3[%select_n3A_160, %dma_start3A_164, %sub3A_163, %dma_start3A_165] : memref<8x21x512x512xf32, #tpu.memory_space<hbm>> -> memref<1x21x4x512xf32, #tpu.memory_space<hbm>>
      %dma_start3A_167 = tpu.memref_squeeze %dma_start3A_166 : memref<1x21x4x512xf32, #tpu.memory_space<hbm>> -> memref<21x4x512xf32, #tpu.memory_space<hbm>>
      %dma_start3A_168 = arith.constant 0 : i32
      %dma_start3A_169 = arith.constant 0 : i32
      %dma_start3A_170 = tpu.memref_slice %arg3[%select_n3A_160, %dma_start3A_168, %sub3A_163, %dma_start3A_169] : memref<8x21x512x512xf32, #tpu.memory_space<hbm>> -> memref<1x21x4x512xf32, #tpu.memory_space<hbm>>
      %dma_start3A_171 = tpu.memref_squeeze %dma_start3A_170 : memref<1x21x4x512xf32, #tpu.memory_space<hbm>> -> memref<21x4x512xf32, #tpu.memory_space<hbm>>
      tpu.enqueue_dma source(%arg9 : memref<21x4x512xf32, #tpu.memory_space<vmem>>) target(%dma_start3A_171 : memref<21x4x512xf32, #tpu.memory_space<hbm>>) target_semaphore(%arg15 : memref<!tpu.dma_semaphore, #tpu.memory_space<semaphore_mem>>)
      %mul3A_172 = arith.constant 4 : i32
      %mul3A_173 = arith.muli %mul3A_172, %scan3A_56 : i32
      %add3A_174 = arith.constant 2 : i32
      %add3A_175 = arith.addi %mul3A_173, %add3A_174 : i32
      %dma_wait3A_176 = arith.constant 0 : i32
      %dma_wait3A_177 = arith.constant 0 : i32
      %dma_wait3A_178 = arith.constant 0 : i32
      %dma_wait3A_179 = arith.constant 0 : i32
      %dma_wait3A_180 = tpu.memref_slice %arg3[%dma_wait3A_176, %dma_wait3A_177, %dma_wait3A_178, %dma_wait3A_179] : memref<8x21x512x512xf32, #tpu.memory_space<hbm>> -> memref<1x21x4x512xf32, #tpu.memory_space<hbm>>
      %dma_wait3A_181 = tpu.memref_squeeze %dma_wait3A_180 : memref<1x21x4x512xf32, #tpu.memory_space<hbm>> -> memref<21x4x512xf32, #tpu.memory_space<hbm>>
      %dma_wait3A_182 = arith.constant 0 : i32
      %dma_wait3A_183 = arith.constant 0 : i32
      %dma_wait3A_184 = arith.constant 0 : i32
      %dma_wait3A_185 = tpu.memref_slice %arg3[%dma_wait3A_176, %dma_wait3A_182, %dma_wait3A_183, %dma_wait3A_184] : memref<8x21x512x512xf32, #tpu.memory_space<hbm>> -> memref<1x21x4x512xf32, #tpu.memory_space<hbm>>
      %dma_wait3A_186 = tpu.memref_squeeze %dma_wait3A_185 : memref<1x21x4x512xf32, #tpu.memory_space<hbm>> -> memref<21x4x512xf32, #tpu.memory_space<hbm>>
      tpu.wait_dma2 semaphore(%arg14 : memref<!tpu.dma_semaphore, #tpu.memory_space<semaphore_mem>>) src(%arg8 : memref<21x4x512xf32, #tpu.memory_space<vmem>>) dst(%dma_wait3A_186 : memref<21x4x512xf32, #tpu.memory_space<hbm>>)
      %scan3A_187 = arith.constant 0 : i32
      %scan3A_188 = arith.constant 0 : i32
      %scan3A_189 = arith.constant 32 : i32
      %scan3A_190 = arith.addi %scan3A_188, %scan3A_189 : i32
      %scan3A_191 = arith.constant 1 : i32
      %scan3A_192 = scf.for %scan3A_325 = %scan3A_188 to %scan3A_190 step %scan3A_191 iter_args(%scan3A_326 = %scan3A_187) -> (i32)  : i32 {
        %mul3A_327 = arith.constant 64 : i32
        %mul3A_328 = arith.muli %scan3A_325, %mul3A_327 : i32
        %add3A_329 = arith.constant 0 : i32
        %add3A_330 = arith.addi %mul3A_328, %add3A_329 : i32
        %get3A = arith.index_cast %add3A_330 : i32 to index
        %get3A_331 = tpu.vector_load %arg4[%get3A] {strides = array<i32>} : memref<2048xi32, #tpu.memory_space<vmem>>, vector<16xi32>,
        %add3A_332 = arith.constant 0 : i32
        %add3A_333 = arith.addi %mul3A_328, %add3A_332 : i32
        %add3A_334 = vector.broadcast %add3A_333 : i32 to vector<16xi32>
        %add3A_335 = arith.addi %add3A_334, %iota3A : vector<16xi32>
        %shift_right_logical3A = arith.constant 9 : i32
        %shift_right_logical3A_336 = vector.broadcast %shift_right_logical3A : i32 to vector<16xi32>
        %shift_right_logical3A_337 = arith.shrui %add3A_335, %shift_right_logical3A_336 : vector<16xi32>
        %and3A_338 = arith.constant 511 : i32
        %and3A_339 = vector.broadcast %and3A_338 : i32 to vector<16xi32>
        %and3A_340 = arith.andi %add3A_335, %and3A_339 : vector<16xi32>
        tpu.vector_store_idx %arg8[%get3A_331, %shift_right_logical3A_337, %and3A_340], %broadcast_in_dim3A_7 : memref<21x4x512xf32, #tpu.memory_space<vmem>>[vector<16xi32>, vector<16xi32>, vector<16xi32>], vector<16xf32>,
        %add3A_341 = arith.constant 16 : i32
        %add3A_342 = arith.addi %mul3A_328, %add3A_341 : i32
        %get3A_343 = arith.index_cast %add3A_342 : i32 to index
        %get3A_344 = tpu.vector_load %arg4[%get3A_343] {strides = array<i32>} : memref<2048xi32, #tpu.memory_space<vmem>>, vector<16xi32>,
        %add3A_345 = arith.constant 16 : i32
        %add3A_346 = arith.addi %mul3A_328, %add3A_345 : i32
        %add3A_347 = vector.broadcast %add3A_346 : i32 to vector<16xi32>
        %add3A_348 = arith.addi %add3A_347, %iota3A : vector<16xi32>
        %shift_right_logical3A_349 = arith.constant 9 : i32
        %shift_right_logical3A_350 = vector.broadcast %shift_right_logical3A_349 : i32 to vector<16xi32>
        %shift_right_logical3A_351 = arith.shrui %add3A_348, %shift_right_logical3A_350 : vector<16xi32>
        %and3A_352 = arith.constant 511 : i32
        %and3A_353 = vector.broadcast %and3A_352 : i32 to vector<16xi32>
        %and3A_354 = arith.andi %add3A_348, %and3A_353 : vector<16xi32>
        tpu.vector_store_idx %arg8[%get3A_344, %shift_right_logical3A_351, %and3A_354], %broadcast_in_dim3A_7 : memref<21x4x512xf32, #tpu.memory_space<vmem>>[vector<16xi32>, vector<16xi32>, vector<16xi32>], vector<16xf32>,
        %add3A_355 = arith.constant 32 : i32
        %add3A_356 = arith.addi %mul3A_328, %add3A_355 : i32
        %get3A_357 = arith.index_cast %add3A_356 : i32 to index
        %get3A_358 = tpu.vector_load %arg4[%get3A_357] {strides = array<i32>} : memref<2048xi32, #tpu.memory_space<vmem>>, vector<16xi32>,
        %add3A_359 = arith.constant 32 : i32
        %add3A_360 = arith.addi %mul3A_328, %add3A_359 : i32
        %add3A_361 = vector.broadcast %add3A_360 : i32 to vector<16xi32>
        %add3A_362 = arith.addi %add3A_361, %iota3A : vector<16xi32>
        %shift_right_logical3A_363 = arith.constant 9 : i32
        %shift_right_logical3A_364 = vector.broadcast %shift_right_logical3A_363 : i32 to vector<16xi32>
        %shift_right_logical3A_365 = arith.shrui %add3A_362, %shift_right_logical3A_364 : vector<16xi32>
        %and3A_366 = arith.constant 511 : i32
        %and3A_367 = vector.broadcast %and3A_366 : i32 to vector<16xi32>
        %and3A_368 = arith.andi %add3A_362, %and3A_367 : vector<16xi32>
        tpu.vector_store_idx %arg8[%get3A_358, %shift_right_logical3A_365, %and3A_368], %broadcast_in_dim3A_7 : memref<21x4x512xf32, #tpu.memory_space<vmem>>[vector<16xi32>, vector<16xi32>, vector<16xi32>], vector<16xf32>,
        %add3A_369 = arith.constant 48 : i32
        %add3A_370 = arith.addi %mul3A_328, %add3A_369 : i32
        %get3A_371 = arith.index_cast %add3A_370 : i32 to index
        %get3A_372 = tpu.vector_load %arg4[%get3A_371] {strides = array<i32>} : memref<2048xi32, #tpu.memory_space<vmem>>, vector<16xi32>,
        %add3A_373 = arith.constant 48 : i32
        %add3A_374 = arith.addi %mul3A_328, %add3A_373 : i32
        %add3A_375 = vector.broadcast %add3A_374 : i32 to vector<16xi32>
        %add3A_376 = arith.addi %add3A_375, %iota3A : vector<16xi32>
        %shift_right_logical3A_377 = arith.constant 9 : i32
        %shift_right_logical3A_378 = vector.broadcast %shift_right_logical3A_377 : i32 to vector<16xi32>
        %shift_right_logical3A_379 = arith.shrui %add3A_376, %shift_right_logical3A_378 : vector<16xi32>
        %and3A_380 = arith.constant 511 : i32
        %and3A_381 = vector.broadcast %and3A_380 : i32 to vector<16xi32>
        %and3A_382 = arith.andi %add3A_376, %and3A_381 : vector<16xi32>
        tpu.vector_store_idx %arg8[%get3A_372, %shift_right_logical3A_379, %and3A_382], %broadcast_in_dim3A_7 : memref<21x4x512xf32, #tpu.memory_space<vmem>>[vector<16xi32>, vector<16xi32>, vector<16xi32>], vector<16xf32>,
        %scan3A_383 = arith.constant 0 : i32
        scf.yield %scan3A_383 : i32
      }
      %scan3A_193 = arith.constant 32 : i32
      %add3A_194 = arith.constant 2 : i32
      %add3A_195 = arith.addi %add3A_175, %add3A_194 : i32
      %lt3A_196 = arith.constant 32 : i32
      %lt3A_197 = arith.cmpi slt, %add3A_195, %lt3A_196 : i32
      %convert_element_type3A_198 = arith.extui %lt3A_197 : i1 to i32
      %cond3A_199 = arith.constant 0 : i32
      %cond3A_200 = arith.cmpi ne, %convert_element_type3A_198, %cond3A_199 : i32
      scf.if %cond3A_200 {
        %add3A_325 = arith.constant 2 : i32
        %add3A_326 = arith.addi %add3A_175, %add3A_325 : i32
        %mul3A_327 = arith.constant 2048 : i32
        %mul3A_328 = arith.muli %add3A_326, %mul3A_327 : i32
        %add3A_329 = arith.addi %mul3A_4, %mul3A_328 : i32
        %dma_start3A_330 = tpu.memref_slice %arg2[%add3A_329] : memref<2097152xi32, #tpu.memory_space<hbm>> -> memref<2048xi32, #tpu.memory_space<hbm>>
        %dma_start3A_331 = tpu.memref_slice %arg2[%add3A_329] : memref<2097152xi32, #tpu.memory_space<hbm>> -> memref<2048xi32, #tpu.memory_space<hbm>>
        tpu.enqueue_dma source(%dma_start3A_331 : memref<2048xi32, #tpu.memory_space<hbm>>) target(%arg4 : memref<2048xi32, #tpu.memory_space<vmem>>) target_semaphore(%arg10 : memref<!tpu.dma_semaphore, #tpu.memory_space<semaphore_mem>>)
      } else {
      }
      %dma_wait3A_201 = tpu.memref_slice %arg2[%mul3A_4] : memref<2097152xi32, #tpu.memory_space<hbm>> -> memref<2048xi32, #tpu.memory_space<hbm>>
      %dma_wait3A_202 = tpu.memref_slice %arg2[%mul3A_4] : memref<2097152xi32, #tpu.memory_space<hbm>> -> memref<2048xi32, #tpu.memory_space<hbm>>
      tpu.wait_dma2 semaphore(%arg12 : memref<!tpu.dma_semaphore, #tpu.memory_space<semaphore_mem>>) src(%dma_wait3A_202 : memref<2048xi32, #tpu.memory_space<hbm>>) dst(%arg6 : memref<2048xi32, #tpu.memory_space<vmem>>)
      %scan3A_203 = arith.constant 0 : i32
      %scan3A_204 = arith.constant 0 : i32
      %scan3A_205 = arith.constant 32 : i32
      %scan3A_206 = arith.addi %scan3A_204, %scan3A_205 : i32
      %scan3A_207 = arith.constant 1 : i32
      %scan3A_208 = scf.for %scan3A_325 = %scan3A_204 to %scan3A_206 step %scan3A_207 iter_args(%scan3A_326 = %scan3A_203) -> (i32)  : i32 {
        %mul3A_327 = arith.constant 64 : i32
        %mul3A_328 = arith.muli %scan3A_325, %mul3A_327 : i32
        %add3A_329 = arith.constant 0 : i32
        %add3A_330 = arith.addi %mul3A_328, %add3A_329 : i32
        %get3A = arith.index_cast %add3A_330 : i32 to index
        %get3A_331 = tpu.vector_load %arg6[%get3A] {strides = array<i32>} : memref<2048xi32, #tpu.memory_space<vmem>>, vector<16xi32>,
        %add3A_332 = arith.constant 0 : i32
        %add3A_333 = arith.addi %mul3A_328, %add3A_332 : i32
        %add3A_334 = vector.broadcast %add3A_333 : i32 to vector<16xi32>
        %add3A_335 = arith.addi %add3A_334, %iota3A : vector<16xi32>
        %shift_right_logical3A = arith.constant 9 : i32
        %shift_right_logical3A_336 = vector.broadcast %shift_right_logical3A : i32 to vector<16xi32>
        %shift_right_logical3A_337 = arith.shrui %add3A_335, %shift_right_logical3A_336 : vector<16xi32>
        %and3A_338 = arith.constant 511 : i32
        %and3A_339 = vector.broadcast %and3A_338 : i32 to vector<16xi32>
        %and3A_340 = arith.andi %add3A_335, %and3A_339 : vector<16xi32>
        tpu.vector_store_idx %arg8[%get3A_331, %shift_right_logical3A_337, %and3A_340], %broadcast_in_dim3A_5 : memref<21x4x512xf32, #tpu.memory_space<vmem>>[vector<16xi32>, vector<16xi32>, vector<16xi32>], vector<16xf32>,
        %add3A_341 = arith.constant 16 : i32
        %add3A_342 = arith.addi %mul3A_328, %add3A_341 : i32
        %get3A_343 = arith.index_cast %add3A_342 : i32 to index
        %get3A_344 = tpu.vector_load %arg6[%get3A_343] {strides = array<i32>} : memref<2048xi32, #tpu.memory_space<vmem>>, vector<16xi32>,
        %add3A_345 = arith.constant 16 : i32
        %add3A_346 = arith.addi %mul3A_328, %add3A_345 : i32
        %add3A_347 = vector.broadcast %add3A_346 : i32 to vector<16xi32>
        %add3A_348 = arith.addi %add3A_347, %iota3A : vector<16xi32>
        %shift_right_logical3A_349 = arith.constant 9 : i32
        %shift_right_logical3A_350 = vector.broadcast %shift_right_logical3A_349 : i32 to vector<16xi32>
        %shift_right_logical3A_351 = arith.shrui %add3A_348, %shift_right_logical3A_350 : vector<16xi32>
        %and3A_352 = arith.constant 511 : i32
        %and3A_353 = vector.broadcast %and3A_352 : i32 to vector<16xi32>
        %and3A_354 = arith.andi %add3A_348, %and3A_353 : vector<16xi32>
        tpu.vector_store_idx %arg8[%get3A_344, %shift_right_logical3A_351, %and3A_354], %broadcast_in_dim3A_5 : memref<21x4x512xf32, #tpu.memory_space<vmem>>[vector<16xi32>, vector<16xi32>, vector<16xi32>], vector<16xf32>,
        %add3A_355 = arith.constant 32 : i32
        %add3A_356 = arith.addi %mul3A_328, %add3A_355 : i32
        %get3A_357 = arith.index_cast %add3A_356 : i32 to index
        %get3A_358 = tpu.vector_load %arg6[%get3A_357] {strides = array<i32>} : memref<2048xi32, #tpu.memory_space<vmem>>, vector<16xi32>,
        %add3A_359 = arith.constant 32 : i32
        %add3A_360 = arith.addi %mul3A_328, %add3A_359 : i32
        %add3A_361 = vector.broadcast %add3A_360 : i32 to vector<16xi32>
        %add3A_362 = arith.addi %add3A_361, %iota3A : vector<16xi32>
        %shift_right_logical3A_363 = arith.constant 9 : i32
        %shift_right_logical3A_364 = vector.broadcast %shift_right_logical3A_363 : i32 to vector<16xi32>
        %shift_right_logical3A_365 = arith.shrui %add3A_362, %shift_right_logical3A_364 : vector<16xi32>
        %and3A_366 = arith.constant 511 : i32
        %and3A_367 = vector.broadcast %and3A_366 : i32 to vector<16xi32>
        %and3A_368 = arith.andi %add3A_362, %and3A_367 : vector<16xi32>
        tpu.vector_store_idx %arg8[%get3A_358, %shift_right_logical3A_365, %and3A_368], %broadcast_in_dim3A_5 : memref<21x4x512xf32, #tpu.memory_space<vmem>>[vector<16xi32>, vector<16xi32>, vector<16xi32>], vector<16xf32>,
        %add3A_369 = arith.constant 48 : i32
        %add3A_370 = arith.addi %mul3A_328, %add3A_369 : i32
        %get3A_371 = arith.index_cast %add3A_370 : i32 to index
        %get3A_372 = tpu.vector_load %arg6[%get3A_371] {strides = array<i32>} : memref<2048xi32, #tpu.memory_space<vmem>>, vector<16xi32>,
        %add3A_373 = arith.constant 48 : i32
        %add3A_374 = arith.addi %mul3A_328, %add3A_373 : i32
        %add3A_375 = vector.broadcast %add3A_374 : i32 to vector<16xi32>
        %add3A_376 = arith.addi %add3A_375, %iota3A : vector<16xi32>
        %shift_right_logical3A_377 = arith.constant 9 : i32
        %shift_right_logical3A_378 = vector.broadcast %shift_right_logical3A_377 : i32 to vector<16xi32>
        %shift_right_logical3A_379 = arith.shrui %add3A_376, %shift_right_logical3A_378 : vector<16xi32>
        %and3A_380 = arith.constant 511 : i32
        %and3A_381 = vector.broadcast %and3A_380 : i32 to vector<16xi32>
        %and3A_382 = arith.andi %add3A_376, %and3A_381 : vector<16xi32>
        tpu.vector_store_idx %arg8[%get3A_372, %shift_right_logical3A_379, %and3A_382], %broadcast_in_dim3A_5 : memref<21x4x512xf32, #tpu.memory_space<vmem>>[vector<16xi32>, vector<16xi32>, vector<16xi32>], vector<16xf32>,
        %scan3A_383 = arith.constant 0 : i32
        scf.yield %scan3A_383 : i32
      }
      %scan3A_209 = arith.constant 32 : i32
      %mul3A_210 = arith.constant 4 : i32
      %mul3A_211 = arith.muli %add3A_175, %mul3A_210 : i32
      %add3A_212 = arith.addi %mul3A_2, %mul3A_211 : i32
      %jit3A_213 = arith.constant 512 : i32
      %div3A_214 = arith.divsi %add3A_212, %jit3A_213 : i32
      %sign3A_215 = arith.constant 0 : i32
      %sign3A_216 = arith.cmpi sgt, %add3A_212, %sign3A_215 : i32
      %sign3A_217 = arith.extui %sign3A_216 : i1 to i32
      %sign3A_218 = arith.constant 0 : i32
      %sign3A_219 = arith.cmpi slt, %add3A_212, %sign3A_218 : i32
      %sign3A_220 = arith.extui %sign3A_219 : i1 to i32
      %sign3A_221 = arith.subi %sign3A_217, %sign3A_220 : i32
      %sign3A_222 = arith.constant 0 : i32
      %sign3A_223 = arith.cmpi sgt, %jit3A_213, %sign3A_222 : i32
      %sign3A_224 = arith.extui %sign3A_223 : i1 to i32
      %sign3A_225 = arith.constant 0 : i32
      %sign3A_226 = arith.cmpi slt, %jit3A_213, %sign3A_225 : i32
      %sign3A_227 = arith.extui %sign3A_226 : i1 to i32
      %sign3A_228 = arith.subi %sign3A_224, %sign3A_227 : i32
      %ne3A_229 = arith.cmpi ne, %sign3A_221, %sign3A_228 : i32
      %rem3A_230 = arith.remsi %add3A_212, %jit3A_213 : i32
      %ne3A_231 = arith.constant 0 : i32
      %ne3A_232 = arith.cmpi ne, %rem3A_230, %ne3A_231 : i32
      %and3A_233 = arith.andi %ne3A_229, %ne3A_232 : i1
      %sub3A_234 = arith.constant 1 : i32
      %sub3A_235 = arith.subi %div3A_214, %sub3A_234 : i32
      %select_n3A_236 = arith.select %and3A_233, %sub3A_235, %div3A_214 : i32
      %mul3A_237 = arith.constant 512 : i32
      %mul3A_238 = arith.muli %select_n3A_236, %mul3A_237 : i32
      %sub3A_239 = arith.subi %add3A_212, %mul3A_238 : i32
      %dma_start3A_240 = arith.constant 0 : i32
      %dma_start3A_241 = arith.constant 0 : i32
      %dma_start3A_242 = tpu.memref_slice %arg3[%select_n3A_236, %dma_start3A_240, %sub3A_239, %dma_start3A_241] : memref<8x21x512x512xf32, #tpu.memory_space<hbm>> -> memref<1x21x4x512xf32, #tpu.memory_space<hbm>>
      %dma_start3A_243 = tpu.memref_squeeze %dma_start3A_242 : memref<1x21x4x512xf32, #tpu.memory_space<hbm>> -> memref<21x4x512xf32, #tpu.memory_space<hbm>>
      %dma_start3A_244 = arith.constant 0 : i32
      %dma_start3A_245 = arith.constant 0 : i32
      %dma_start3A_246 = tpu.memref_slice %arg3[%select_n3A_236, %dma_start3A_244, %sub3A_239, %dma_start3A_245] : memref<8x21x512x512xf32, #tpu.memory_space<hbm>> -> memref<1x21x4x512xf32, #tpu.memory_space<hbm>>
      %dma_start3A_247 = tpu.memref_squeeze %dma_start3A_246 : memref<1x21x4x512xf32, #tpu.memory_space<hbm>> -> memref<21x4x512xf32, #tpu.memory_space<hbm>>
      tpu.enqueue_dma source(%arg8 : memref<21x4x512xf32, #tpu.memory_space<vmem>>) target(%dma_start3A_247 : memref<21x4x512xf32, #tpu.memory_space<hbm>>) target_semaphore(%arg14 : memref<!tpu.dma_semaphore, #tpu.memory_space<semaphore_mem>>)
      %mul3A_248 = arith.constant 4 : i32
      %mul3A_249 = arith.muli %mul3A_248, %scan3A_56 : i32
      %add3A_250 = arith.constant 3 : i32
      %add3A_251 = arith.addi %mul3A_249, %add3A_250 : i32
      %dma_wait3A_252 = arith.constant 0 : i32
      %dma_wait3A_253 = arith.constant 0 : i32
      %dma_wait3A_254 = arith.constant 0 : i32
      %dma_wait3A_255 = arith.constant 0 : i32
      %dma_wait3A_256 = tpu.memref_slice %arg3[%dma_wait3A_252, %dma_wait3A_253, %dma_wait3A_254, %dma_wait3A_255] : memref<8x21x512x512xf32, #tpu.memory_space<hbm>> -> memref<1x21x4x512xf32, #tpu.memory_space<hbm>>
      %dma_wait3A_257 = tpu.memref_squeeze %dma_wait3A_256 : memref<1x21x4x512xf32, #tpu.memory_space<hbm>> -> memref<21x4x512xf32, #tpu.memory_space<hbm>>
      %dma_wait3A_258 = arith.constant 0 : i32
      %dma_wait3A_259 = arith.constant 0 : i32
      %dma_wait3A_260 = arith.constant 0 : i32
      %dma_wait3A_261 = tpu.memref_slice %arg3[%dma_wait3A_252, %dma_wait3A_258, %dma_wait3A_259, %dma_wait3A_260] : memref<8x21x512x512xf32, #tpu.memory_space<hbm>> -> memref<1x21x4x512xf32, #tpu.memory_space<hbm>>
      %dma_wait3A_262 = tpu.memref_squeeze %dma_wait3A_261 : memref<1x21x4x512xf32, #tpu.memory_space<hbm>> -> memref<21x4x512xf32, #tpu.memory_space<hbm>>
      tpu.wait_dma2 semaphore(%arg15 : memref<!tpu.dma_semaphore, #tpu.memory_space<semaphore_mem>>) src(%arg9 : memref<21x4x512xf32, #tpu.memory_space<vmem>>) dst(%dma_wait3A_262 : memref<21x4x512xf32, #tpu.memory_space<hbm>>)
      %scan3A_263 = arith.constant 0 : i32
      %scan3A_264 = arith.constant 0 : i32
      %scan3A_265 = arith.constant 32 : i32
      %scan3A_266 = arith.addi %scan3A_264, %scan3A_265 : i32
      %scan3A_267 = arith.constant 1 : i32
      %scan3A_268 = scf.for %scan3A_325 = %scan3A_264 to %scan3A_266 step %scan3A_267 iter_args(%scan3A_326 = %scan3A_263) -> (i32)  : i32 {
        %mul3A_327 = arith.constant 64 : i32
        %mul3A_328 = arith.muli %scan3A_325, %mul3A_327 : i32
        %add3A_329 = arith.constant 0 : i32
        %add3A_330 = arith.addi %mul3A_328, %add3A_329 : i32
        %get3A = arith.index_cast %add3A_330 : i32 to index
        %get3A_331 = tpu.vector_load %arg5[%get3A] {strides = array<i32>} : memref<2048xi32, #tpu.memory_space<vmem>>, vector<16xi32>,
        %add3A_332 = arith.constant 0 : i32
        %add3A_333 = arith.addi %mul3A_328, %add3A_332 : i32
        %add3A_334 = vector.broadcast %add3A_333 : i32 to vector<16xi32>
        %add3A_335 = arith.addi %add3A_334, %iota3A : vector<16xi32>
        %shift_right_logical3A = arith.constant 9 : i32
        %shift_right_logical3A_336 = vector.broadcast %shift_right_logical3A : i32 to vector<16xi32>
        %shift_right_logical3A_337 = arith.shrui %add3A_335, %shift_right_logical3A_336 : vector<16xi32>
        %and3A_338 = arith.constant 511 : i32
        %and3A_339 = vector.broadcast %and3A_338 : i32 to vector<16xi32>
        %and3A_340 = arith.andi %add3A_335, %and3A_339 : vector<16xi32>
        tpu.vector_store_idx %arg9[%get3A_331, %shift_right_logical3A_337, %and3A_340], %broadcast_in_dim3A_7 : memref<21x4x512xf32, #tpu.memory_space<vmem>>[vector<16xi32>, vector<16xi32>, vector<16xi32>], vector<16xf32>,
        %add3A_341 = arith.constant 16 : i32
        %add3A_342 = arith.addi %mul3A_328, %add3A_341 : i32
        %get3A_343 = arith.index_cast %add3A_342 : i32 to index
        %get3A_344 = tpu.vector_load %arg5[%get3A_343] {strides = array<i32>} : memref<2048xi32, #tpu.memory_space<vmem>>, vector<16xi32>,
        %add3A_345 = arith.constant 16 : i32
        %add3A_346 = arith.addi %mul3A_328, %add3A_345 : i32
        %add3A_347 = vector.broadcast %add3A_346 : i32 to vector<16xi32>
        %add3A_348 = arith.addi %add3A_347, %iota3A : vector<16xi32>
        %shift_right_logical3A_349 = arith.constant 9 : i32
        %shift_right_logical3A_350 = vector.broadcast %shift_right_logical3A_349 : i32 to vector<16xi32>
        %shift_right_logical3A_351 = arith.shrui %add3A_348, %shift_right_logical3A_350 : vector<16xi32>
        %and3A_352 = arith.constant 511 : i32
        %and3A_353 = vector.broadcast %and3A_352 : i32 to vector<16xi32>
        %and3A_354 = arith.andi %add3A_348, %and3A_353 : vector<16xi32>
        tpu.vector_store_idx %arg9[%get3A_344, %shift_right_logical3A_351, %and3A_354], %broadcast_in_dim3A_7 : memref<21x4x512xf32, #tpu.memory_space<vmem>>[vector<16xi32>, vector<16xi32>, vector<16xi32>], vector<16xf32>,
        %add3A_355 = arith.constant 32 : i32
        %add3A_356 = arith.addi %mul3A_328, %add3A_355 : i32
        %get3A_357 = arith.index_cast %add3A_356 : i32 to index
        %get3A_358 = tpu.vector_load %arg5[%get3A_357] {strides = array<i32>} : memref<2048xi32, #tpu.memory_space<vmem>>, vector<16xi32>,
        %add3A_359 = arith.constant 32 : i32
        %add3A_360 = arith.addi %mul3A_328, %add3A_359 : i32
        %add3A_361 = vector.broadcast %add3A_360 : i32 to vector<16xi32>
        %add3A_362 = arith.addi %add3A_361, %iota3A : vector<16xi32>
        %shift_right_logical3A_363 = arith.constant 9 : i32
        %shift_right_logical3A_364 = vector.broadcast %shift_right_logical3A_363 : i32 to vector<16xi32>
        %shift_right_logical3A_365 = arith.shrui %add3A_362, %shift_right_logical3A_364 : vector<16xi32>
        %and3A_366 = arith.constant 511 : i32
        %and3A_367 = vector.broadcast %and3A_366 : i32 to vector<16xi32>
        %and3A_368 = arith.andi %add3A_362, %and3A_367 : vector<16xi32>
        tpu.vector_store_idx %arg9[%get3A_358, %shift_right_logical3A_365, %and3A_368], %broadcast_in_dim3A_7 : memref<21x4x512xf32, #tpu.memory_space<vmem>>[vector<16xi32>, vector<16xi32>, vector<16xi32>], vector<16xf32>,
        %add3A_369 = arith.constant 48 : i32
        %add3A_370 = arith.addi %mul3A_328, %add3A_369 : i32
        %get3A_371 = arith.index_cast %add3A_370 : i32 to index
        %get3A_372 = tpu.vector_load %arg5[%get3A_371] {strides = array<i32>} : memref<2048xi32, #tpu.memory_space<vmem>>, vector<16xi32>,
        %add3A_373 = arith.constant 48 : i32
        %add3A_374 = arith.addi %mul3A_328, %add3A_373 : i32
        %add3A_375 = vector.broadcast %add3A_374 : i32 to vector<16xi32>
        %add3A_376 = arith.addi %add3A_375, %iota3A : vector<16xi32>
        %shift_right_logical3A_377 = arith.constant 9 : i32
        %shift_right_logical3A_378 = vector.broadcast %shift_right_logical3A_377 : i32 to vector<16xi32>
        %shift_right_logical3A_379 = arith.shrui %add3A_376, %shift_right_logical3A_378 : vector<16xi32>
        %and3A_380 = arith.constant 511 : i32
        %and3A_381 = vector.broadcast %and3A_380 : i32 to vector<16xi32>
        %and3A_382 = arith.andi %add3A_376, %and3A_381 : vector<16xi32>
        tpu.vector_store_idx %arg9[%get3A_372, %shift_right_logical3A_379, %and3A_382], %broadcast_in_dim3A_7 : memref<21x4x512xf32, #tpu.memory_space<vmem>>[vector<16xi32>, vector<16xi32>, vector<16xi32>], vector<16xf32>,
        %scan3A_383 = arith.constant 0 : i32
        scf.yield %scan3A_383 : i32
      }
      %scan3A_269 = arith.constant 32 : i32
      %add3A_270 = arith.constant 2 : i32
      %add3A_271 = arith.addi %add3A_251, %add3A_270 : i32
      %lt3A_272 = arith.constant 32 : i32
      %lt3A_273 = arith.cmpi slt, %add3A_271, %lt3A_272 : i32
      %convert_element_type3A_274 = arith.extui %lt3A_273 : i1 to i32
      %cond3A_275 = arith.constant 0 : i32
      %cond3A_276 = arith.cmpi ne, %convert_element_type3A_274, %cond3A_275 : i32
      scf.if %cond3A_276 {
        %add3A_325 = arith.constant 2 : i32
        %add3A_326 = arith.addi %add3A_251, %add3A_325 : i32
        %mul3A_327 = arith.constant 2048 : i32
        %mul3A_328 = arith.muli %add3A_326, %mul3A_327 : i32
        %add3A_329 = arith.addi %mul3A_4, %mul3A_328 : i32
        %dma_start3A_330 = tpu.memref_slice %arg2[%add3A_329] : memref<2097152xi32, #tpu.memory_space<hbm>> -> memref<2048xi32, #tpu.memory_space<hbm>>
        %dma_start3A_331 = tpu.memref_slice %arg2[%add3A_329] : memref<2097152xi32, #tpu.memory_space<hbm>> -> memref<2048xi32, #tpu.memory_space<hbm>>
        tpu.enqueue_dma source(%dma_start3A_331 : memref<2048xi32, #tpu.memory_space<hbm>>) target(%arg5 : memref<2048xi32, #tpu.memory_space<vmem>>) target_semaphore(%arg11 : memref<!tpu.dma_semaphore, #tpu.memory_space<semaphore_mem>>)
      } else {
      }
      %dma_wait3A_277 = tpu.memref_slice %arg2[%mul3A_4] : memref<2097152xi32, #tpu.memory_space<hbm>> -> memref<2048xi32, #tpu.memory_space<hbm>>
      %dma_wait3A_278 = tpu.memref_slice %arg2[%mul3A_4] : memref<2097152xi32, #tpu.memory_space<hbm>> -> memref<2048xi32, #tpu.memory_space<hbm>>
      tpu.wait_dma2 semaphore(%arg13 : memref<!tpu.dma_semaphore, #tpu.memory_space<semaphore_mem>>) src(%dma_wait3A_278 : memref<2048xi32, #tpu.memory_space<hbm>>) dst(%arg7 : memref<2048xi32, #tpu.memory_space<vmem>>)
      %scan3A_279 = arith.constant 0 : i32
      %scan3A_280 = arith.constant 0 : i32
      %scan3A_281 = arith.constant 32 : i32
      %scan3A_282 = arith.addi %scan3A_280, %scan3A_281 : i32
      %scan3A_283 = arith.constant 1 : i32
      %scan3A_284 = scf.for %scan3A_325 = %scan3A_280 to %scan3A_282 step %scan3A_283 iter_args(%scan3A_326 = %scan3A_279) -> (i32)  : i32 {
        %mul3A_327 = arith.constant 64 : i32
        %mul3A_328 = arith.muli %scan3A_325, %mul3A_327 : i32
        %add3A_329 = arith.constant 0 : i32
        %add3A_330 = arith.addi %mul3A_328, %add3A_329 : i32
        %get3A = arith.index_cast %add3A_330 : i32 to index
        %get3A_331 = tpu.vector_load %arg7[%get3A] {strides = array<i32>} : memref<2048xi32, #tpu.memory_space<vmem>>, vector<16xi32>,
        %add3A_332 = arith.constant 0 : i32
        %add3A_333 = arith.addi %mul3A_328, %add3A_332 : i32
        %add3A_334 = vector.broadcast %add3A_333 : i32 to vector<16xi32>
        %add3A_335 = arith.addi %add3A_334, %iota3A : vector<16xi32>
        %shift_right_logical3A = arith.constant 9 : i32
        %shift_right_logical3A_336 = vector.broadcast %shift_right_logical3A : i32 to vector<16xi32>
        %shift_right_logical3A_337 = arith.shrui %add3A_335, %shift_right_logical3A_336 : vector<16xi32>
        %and3A_338 = arith.constant 511 : i32
        %and3A_339 = vector.broadcast %and3A_338 : i32 to vector<16xi32>
        %and3A_340 = arith.andi %add3A_335, %and3A_339 : vector<16xi32>
        tpu.vector_store_idx %arg9[%get3A_331, %shift_right_logical3A_337, %and3A_340], %broadcast_in_dim3A_5 : memref<21x4x512xf32, #tpu.memory_space<vmem>>[vector<16xi32>, vector<16xi32>, vector<16xi32>], vector<16xf32>,
        %add3A_341 = arith.constant 16 : i32
        %add3A_342 = arith.addi %mul3A_328, %add3A_341 : i32
        %get3A_343 = arith.index_cast %add3A_342 : i32 to index
        %get3A_344 = tpu.vector_load %arg7[%get3A_343] {strides = array<i32>} : memref<2048xi32, #tpu.memory_space<vmem>>, vector<16xi32>,
        %add3A_345 = arith.constant 16 : i32
        %add3A_346 = arith.addi %mul3A_328, %add3A_345 : i32
        %add3A_347 = vector.broadcast %add3A_346 : i32 to vector<16xi32>
        %add3A_348 = arith.addi %add3A_347, %iota3A : vector<16xi32>
        %shift_right_logical3A_349 = arith.constant 9 : i32
        %shift_right_logical3A_350 = vector.broadcast %shift_right_logical3A_349 : i32 to vector<16xi32>
        %shift_right_logical3A_351 = arith.shrui %add3A_348, %shift_right_logical3A_350 : vector<16xi32>
        %and3A_352 = arith.constant 511 : i32
        %and3A_353 = vector.broadcast %and3A_352 : i32 to vector<16xi32>
        %and3A_354 = arith.andi %add3A_348, %and3A_353 : vector<16xi32>
        tpu.vector_store_idx %arg9[%get3A_344, %shift_right_logical3A_351, %and3A_354], %broadcast_in_dim3A_5 : memref<21x4x512xf32, #tpu.memory_space<vmem>>[vector<16xi32>, vector<16xi32>, vector<16xi32>], vector<16xf32>,
        %add3A_355 = arith.constant 32 : i32
        %add3A_356 = arith.addi %mul3A_328, %add3A_355 : i32
        %get3A_357 = arith.index_cast %add3A_356 : i32 to index
        %get3A_358 = tpu.vector_load %arg7[%get3A_357] {strides = array<i32>} : memref<2048xi32, #tpu.memory_space<vmem>>, vector<16xi32>,
        %add3A_359 = arith.constant 32 : i32
        %add3A_360 = arith.addi %mul3A_328, %add3A_359 : i32
        %add3A_361 = vector.broadcast %add3A_360 : i32 to vector<16xi32>
        %add3A_362 = arith.addi %add3A_361, %iota3A : vector<16xi32>
        %shift_right_logical3A_363 = arith.constant 9 : i32
        %shift_right_logical3A_364 = vector.broadcast %shift_right_logical3A_363 : i32 to vector<16xi32>
        %shift_right_logical3A_365 = arith.shrui %add3A_362, %shift_right_logical3A_364 : vector<16xi32>
        %and3A_366 = arith.constant 511 : i32
        %and3A_367 = vector.broadcast %and3A_366 : i32 to vector<16xi32>
        %and3A_368 = arith.andi %add3A_362, %and3A_367 : vector<16xi32>
        tpu.vector_store_idx %arg9[%get3A_358, %shift_right_logical3A_365, %and3A_368], %broadcast_in_dim3A_5 : memref<21x4x512xf32, #tpu.memory_space<vmem>>[vector<16xi32>, vector<16xi32>, vector<16xi32>], vector<16xf32>,
        %add3A_369 = arith.constant 48 : i32
        %add3A_370 = arith.addi %mul3A_328, %add3A_369 : i32
        %get3A_371 = arith.index_cast %add3A_370 : i32 to index
        %get3A_372 = tpu.vector_load %arg7[%get3A_371] {strides = array<i32>} : memref<2048xi32, #tpu.memory_space<vmem>>, vector<16xi32>,
        %add3A_373 = arith.constant 48 : i32
        %add3A_374 = arith.addi %mul3A_328, %add3A_373 : i32
        %add3A_375 = vector.broadcast %add3A_374 : i32 to vector<16xi32>
        %add3A_376 = arith.addi %add3A_375, %iota3A : vector<16xi32>
        %shift_right_logical3A_377 = arith.constant 9 : i32
        %shift_right_logical3A_378 = vector.broadcast %shift_right_logical3A_377 : i32 to vector<16xi32>
        %shift_right_logical3A_379 = arith.shrui %add3A_376, %shift_right_logical3A_378 : vector<16xi32>
        %and3A_380 = arith.constant 511 : i32
        %and3A_381 = vector.broadcast %and3A_380 : i32 to vector<16xi32>
        %and3A_382 = arith.andi %add3A_376, %and3A_381 : vector<16xi32>
        tpu.vector_store_idx %arg9[%get3A_372, %shift_right_logical3A_379, %and3A_382], %broadcast_in_dim3A_5 : memref<21x4x512xf32, #tpu.memory_space<vmem>>[vector<16xi32>, vector<16xi32>, vector<16xi32>], vector<16xf32>,
        %scan3A_383 = arith.constant 0 : i32
        scf.yield %scan3A_383 : i32
      }
      %scan3A_285 = arith.constant 32 : i32
      %mul3A_286 = arith.constant 4 : i32
      %mul3A_287 = arith.muli %add3A_251, %mul3A_286 : i32
      %add3A_288 = arith.addi %mul3A_2, %mul3A_287 : i32
      %jit3A_289 = arith.constant 512 : i32
      %div3A_290 = arith.divsi %add3A_288, %jit3A_289 : i32
      %sign3A_291 = arith.constant 0 : i32
      %sign3A_292 = arith.cmpi sgt, %add3A_288, %sign3A_291 : i32
      %sign3A_293 = arith.extui %sign3A_292 : i1 to i32
      %sign3A_294 = arith.constant 0 : i32
      %sign3A_295 = arith.cmpi slt, %add3A_288, %sign3A_294 : i32
      %sign3A_296 = arith.extui %sign3A_295 : i1 to i32
      %sign3A_297 = arith.subi %sign3A_293, %sign3A_296 : i32
      %sign3A_298 = arith.constant 0 : i32
      %sign3A_299 = arith.cmpi sgt, %jit3A_289, %sign3A_298 : i32
      %sign3A_300 = arith.extui %sign3A_299 : i1 to i32
      %sign3A_301 = arith.constant 0 : i32
      %sign3A_302 = arith.cmpi slt, %jit3A_289, %sign3A_301 : i32
      %sign3A_303 = arith.extui %sign3A_302 : i1 to i32
      %sign3A_304 = arith.subi %sign3A_300, %sign3A_303 : i32
      %ne3A_305 = arith.cmpi ne, %sign3A_297, %sign3A_304 : i32
      %rem3A_306 = arith.remsi %add3A_288, %jit3A_289 : i32
      %ne3A_307 = arith.constant 0 : i32
      %ne3A_308 = arith.cmpi ne, %rem3A_306, %ne3A_307 : i32
      %and3A_309 = arith.andi %ne3A_305, %ne3A_308 : i1
      %sub3A_310 = arith.constant 1 : i32
      %sub3A_311 = arith.subi %div3A_290, %sub3A_310 : i32
      %select_n3A_312 = arith.select %and3A_309, %sub3A_311, %div3A_290 : i32
      %mul3A_313 = arith.constant 512 : i32
      %mul3A_314 = arith.muli %select_n3A_312, %mul3A_313 : i32
      %sub3A_315 = arith.subi %add3A_288, %mul3A_314 : i32
      %dma_start3A_316 = arith.constant 0 : i32
      %dma_start3A_317 = arith.constant 0 : i32
      %dma_start3A_318 = tpu.memref_slice %arg3[%select_n3A_312, %dma_start3A_316, %sub3A_315, %dma_start3A_317] : memref<8x21x512x512xf32, #tpu.memory_space<hbm>> -> memref<1x21x4x512xf32, #tpu.memory_space<hbm>>
      %dma_start3A_319 = tpu.memref_squeeze %dma_start3A_318 : memref<1x21x4x512xf32, #tpu.memory_space<hbm>> -> memref<21x4x512xf32, #tpu.memory_space<hbm>>
      %dma_start3A_320 = arith.constant 0 : i32
      %dma_start3A_321 = arith.constant 0 : i32
      %dma_start3A_322 = tpu.memref_slice %arg3[%select_n3A_312, %dma_start3A_320, %sub3A_315, %dma_start3A_321] : memref<8x21x512x512xf32, #tpu.memory_space<hbm>> -> memref<1x21x4x512xf32, #tpu.memory_space<hbm>>
      %dma_start3A_323 = tpu.memref_squeeze %dma_start3A_322 : memref<1x21x4x512xf32, #tpu.memory_space<hbm>> -> memref<21x4x512xf32, #tpu.memory_space<hbm>>
      tpu.enqueue_dma source(%arg9 : memref<21x4x512xf32, #tpu.memory_space<vmem>>) target(%dma_start3A_323 : memref<21x4x512xf32, #tpu.memory_space<hbm>>) target_semaphore(%arg15 : memref<!tpu.dma_semaphore, #tpu.memory_space<semaphore_mem>>)
      %scan3A_324 = arith.constant 0 : i32
      scf.yield %scan3A_324 : i32
    }
    %scan3A_34 = arith.constant 8 : i32
    %dma_wait3A = arith.constant 0 : i32
    %dma_wait3A_35 = arith.constant 0 : i32
    %dma_wait3A_36 = arith.constant 0 : i32
    %dma_wait3A_37 = arith.constant 0 : i32
    %dma_wait3A_38 = tpu.memref_slice %arg3[%dma_wait3A, %dma_wait3A_35, %dma_wait3A_36, %dma_wait3A_37] : memref<8x21x512x512xf32, #tpu.memory_space<hbm>> -> memref<1x21x4x512xf32, #tpu.memory_space<hbm>>
    %dma_wait3A_39 = tpu.memref_squeeze %dma_wait3A_38 : memref<1x21x4x512xf32, #tpu.memory_space<hbm>> -> memref<21x4x512xf32, #tpu.memory_space<hbm>>
    %dma_wait3A_40 = arith.constant 0 : i32
    %dma_wait3A_41 = arith.constant 0 : i32
    %dma_wait3A_42 = arith.constant 0 : i32
    %dma_wait3A_43 = tpu.memref_slice %arg3[%dma_wait3A, %dma_wait3A_40, %dma_wait3A_41, %dma_wait3A_42] : memref<8x21x512x512xf32, #tpu.memory_space<hbm>> -> memref<1x21x4x512xf32, #tpu.memory_space<hbm>>
    %dma_wait3A_44 = tpu.memref_squeeze %dma_wait3A_43 : memref<1x21x4x512xf32, #tpu.memory_space<hbm>> -> memref<21x4x512xf32, #tpu.memory_space<hbm>>
    tpu.wait_dma2 semaphore(%arg14 : memref<!tpu.dma_semaphore, #tpu.memory_space<semaphore_mem>>) src(%arg8 : memref<21x4x512xf32, #tpu.memory_space<vmem>>) dst(%dma_wait3A_44 : memref<21x4x512xf32, #tpu.memory_space<hbm>>)
    %dma_wait3A_45 = arith.constant 0 : i32
    %dma_wait3A_46 = arith.constant 0 : i32
    %dma_wait3A_47 = arith.constant 0 : i32
    %dma_wait3A_48 = arith.constant 0 : i32
    %dma_wait3A_49 = tpu.memref_slice %arg3[%dma_wait3A_45, %dma_wait3A_46, %dma_wait3A_47, %dma_wait3A_48] : memref<8x21x512x512xf32, #tpu.memory_space<hbm>> -> memref<1x21x4x512xf32, #tpu.memory_space<hbm>>
    %dma_wait3A_50 = tpu.memref_squeeze %dma_wait3A_49 : memref<1x21x4x512xf32, #tpu.memory_space<hbm>> -> memref<21x4x512xf32, #tpu.memory_space<hbm>>
    %dma_wait3A_51 = arith.constant 0 : i32
    %dma_wait3A_52 = arith.constant 0 : i32
    %dma_wait3A_53 = arith.constant 0 : i32
    %dma_wait3A_54 = tpu.memref_slice %arg3[%dma_wait3A_45, %dma_wait3A_51, %dma_wait3A_52, %dma_wait3A_53] : memref<8x21x512x512xf32, #tpu.memory_space<hbm>> -> memref<1x21x4x512xf32, #tpu.memory_space<hbm>>
    %dma_wait3A_55 = tpu.memref_squeeze %dma_wait3A_54 : memref<1x21x4x512xf32, #tpu.memory_space<hbm>> -> memref<21x4x512xf32, #tpu.memory_space<hbm>>
    tpu.wait_dma2 semaphore(%arg15 : memref<!tpu.dma_semaphore, #tpu.memory_space<semaphore_mem>>) src(%arg9 : memref<21x4x512xf32, #tpu.memory_space<vmem>>) dst(%dma_wait3A_55 : memref<21x4x512xf32, #tpu.memory_space<hbm>>)
    return
  }
}

</mosaic_0001>

<sc_bundles>
// kernel: kernel.3.cloned.1.call-start
scs
__scs_entry_jumppad:
0x0: {  	(pc) =	sbr.rel $0x88, $3  }
0x1: {  	(tag) =	ssettag $0x0;
	lr =	simm.s32 $0x1  }
0x2: {  	[smem:$0x3FA0] =	sst lr;
	_ =	strace $0xD0000000  }
0x3: {  	_ = 	snop  }
0x4: {  	_ = 	snop  }
0x5: {  	_ = 	snop  }
0x6: {  	_ = 	snop  }
0x7: {  	_ = 	snop  }
__scs_overlays_trampoline_lowered:
0x8: {  	[smem:$0x3FAF] =	sst s0  }
0x9: {  	[smem:$0x3FB0] =	sst s1  }
0xa: {  	[smem:$0x3FB1] =	sst s2  }
0xb: {  	[smem:$0x3FB2] =	sst s3  }
0xc: {  	[smem:$0x3FB3] =	sst s4  }
0xd: {  	[smem:$0x3FB4] =	sst s5  }
0xe: {  	[smem:$0x3FB5] =	sst s6  }
0xf: {  	[smem:$0x3FB6] =	sst s7  }
0x10: {  	[smem:$0x3FB7] =	sst s8  }
0x11: {  	[smem:$0x3FB8] =	sst s9;
	s0 =	simm.s32 @!p0 $0x0  }
0x12: {  	s1 =	sld [smem:$0x3F9E];
	s0 =	simm.s32 @p0 $0x1  }
0x13: {  	[smem:$0x3FB9] =	sst s0;
	s0 =	simm.s32 @!p1 $0x0  }
0x14: {  	s2 =	sld [smem:$0x3F9D];
	s0 =	simm.s32 @p1 $0x1  }
0x15: {  	[smem:$0x3FBA] =	sst s0;
	s0 =	simm.s32 @!p2 $0x0  }
0x16: {  	s3 =	sld [smem:$0x3FDB];
	s0 =	simm.s32 @p2 $0x1  }
0x17: {  	s4 =	simm.s32 $0x1BF5;
	[smem:$0x3FBC] =	sst s0  }
0x18: {  	s0 =	sld [smem:$0x3F9F];
	_ =	swait.ge [sflag:s4], $0x0  }
0x19: {  	s7 =	sld [smem:$0x3FA0]  }
0x1a: {  	s8 =	sadd.s32 $0xFFFFE003, lr  }
0x1b: {  	s9 =	sadd.s32 $0xFFFFFEF7, lr;
	s5 =	simm.s32 $0xFFFFFFFF;
	p2 =	slt.u32 s8, $0xFFFFF086  }
0x1c: {  	p1 =	slt.u32 s9, $0xF7A;
	s5 =	simm.s32 @!p2 $0x0  }
0x1d: {  	s5 =	simm.s32 @p1 $0x1;
	p0 =	seq.s32 s7, s2  }
0x1e: {  	s7 =	smul.u32 @!p0 $0xF7A, s2;
	p2 =	seq.s32 @!p0 s5, $0x0  }
0x1f: {  	s9 =	smul.u32 $0xF7A, s1;
	s8 =	simm.s32 @!p0 $0x1BF5;
	p2 =	por !p2, p0  }
0x20: {  	[sflag:s8] =	ssyncset.s32 @!p0 $0xFFFFF086;
	s6 =	sadd.s32 @!p0 s3, s7;
	s7 =	simm.s32 @!p0 $0x108  }
0x21: {  	s3 =	sadd.s32 s3, s9;
	s6 =	sadd.s32 @!p0 $0x88, s6;
	s7 =	simm.s32 @p2 $0x1082  }
0x22: {  	[simem:s7], [sflag:s8] =	dma.local @!p0 [hbm:s6], $0xF7A  }
0x23: {  	s9 =	sor.u32 $0xD0000000, s2;
	s6 =	simm.s32 $0x108;
	_ =	swait.ge @!p0 [sflag:s8], $0x0  }
0x24: {  	s3 =	sadd.s32 $0x88, s3;
	s6 =	simm.s32 @!p1 $0x1082;
	[sflag:s4] =	ssyncset.s32 $0xFFFFF086  }
0x25: {  	[simem:s6], [sflag:s4] =	dma.local [hbm:s3], $0xF7A  }
0x26: {  	[smem:$0x3FA0] =	sst s1;
	(tag) =	ssettag s2;
	_ =	strace s9  }
0x27: {  	s1 =	sld [smem:$0x3FB0]  }
0x28: {  	s2 =	sld [smem:$0x3FB1]  }
0x29: {  	s4 =	sld [smem:$0x3FB3]  }
0x2a: {  	p0 =	seq.s32 s5, $0x0;
	s5 =	sld [smem:$0x3FB4]  }
0x2b: {  	s6 =	sld [smem:$0x3FB5]  }
0x2c: {  	s7 =	sld [smem:$0x3FB6]  }
0x2d: {  	s3 =	simm.s32 $0x108;
	s8 =	sld [smem:$0x3FB7]  }
0x2e: {  	s3 =	simm.s32 @!p0 $0x1082;
	s9 =	sld [smem:$0x3FB8]  }
0x2f: {  	lr =	sadd.s32 s0, s3;
	s0 =	sld [smem:$0x3FAF]  }
0x30: {  	s3 =	sld [smem:$0x3FB2]  }
0x31: {  	[smem:$0x3FBB] =	sst s10  }
0x32: {  	s10 =	sld [smem:$0x3FB9];
	_ =	sdelay $0x3  }
0x33: {  	p0 =	seq.s32 s10, $0x1;
	s10 =	sld [smem:$0x3FBB];
	_ =	sdelay $0x3  }
0x34: {  	[smem:$0x3FBB] =	sst s10  }
0x35: {  	s10 =	sld [smem:$0x3FBA];
	_ =	sdelay $0x3  }
0x36: {  	p1 =	seq.s32 s10, $0x1;
	s10 =	sld [smem:$0x3FBB];
	_ =	sdelay $0x3  }
0x37: {  	[smem:$0x3FBB] =	sst s10  }
0x38: {  	s10 =	sld [smem:$0x3FBC]  }
0x39: {  	_ = 	snop;
	(pc) =	sbr.ind lr, $3  }
0x3a: {  	_ = 	snop  }
0x3b: {  	_ = 	snop  }
0x3c: {  	p2 =	seq.s32 s10, $0x1;
	s10 =	sld [smem:$0x3FBB]  }
0x3d: {  	_ =	shalt  }
0x3e: {  	_ =	shalt  }
0x3f: {  	_ =	shalt  }
0x40: {  	_ =	shalt  }
0x41: {  	_ =	shalt  }
0x42: {  	_ =	shalt  }
0x43: {  	_ =	shalt  }
0x44: {  	_ =	shalt  }
0x45: {  	_ =	shalt  }
0x46: {  	_ =	shalt  }
0x47: {  	_ =	shalt  }
0x48: {  	_ =	shalt  }
0x49: {  	_ =	shalt  }
0x4a: {  	_ =	shalt  }
0x4b: {  	_ =	shalt  }
0x4c: {  	_ =	shalt  }
0x4d: {  	_ =	shalt  }
0x4e: {  	_ =	shalt  }
0x4f: {  	_ =	shalt  }
0x50: {  	_ =	shalt  }
0x51: {  	_ =	shalt  }
0x52: {  	_ =	shalt  }
0x53: {  	_ =	shalt  }
0x54: {  	_ =	shalt  }
0x55: {  	_ =	shalt  }
0x56: {  	_ =	shalt  }
0x57: {  	_ =	shalt  }
0x58: {  	_ =	shalt  }
0x59: {  	_ =	shalt  }
0x5a: {  	_ =	shalt  }
0x5b: {  	_ =	shalt  }
0x5c: {  	_ =	shalt  }
0x5d: {  	_ =	shalt  }
0x5e: {  	_ =	shalt  }
0x5f: {  	_ =	shalt  }
0x60: {  	_ =	shalt  }
0x61: {  	_ =	shalt  }
0x62: {  	_ =	shalt  }
0x63: {  	_ =	shalt  }
0x64: {  	_ =	shalt  }
0x65: {  	_ =	shalt  }
0x66: {  	_ =	shalt  }
0x67: {  	_ =	shalt  }
0x68: {  	_ =	shalt  }
0x69: {  	_ =	shalt  }
0x6a: {  	_ =	shalt  }
0x6b: {  	_ =	shalt  }
0x6c: {  	_ =	shalt  }
0x6d: {  	_ =	shalt  }
0x6e: {  	_ =	shalt  }
0x6f: {  	_ =	shalt  }
0x70: {  	_ =	shalt  }
0x71: {  	_ =	shalt  }
0x72: {  	_ =	shalt  }
0x73: {  	_ =	shalt  }
0x74: {  	_ =	shalt  }
0x75: {  	_ =	shalt  }
0x76: {  	_ =	shalt  }
0x77: {  	_ =	shalt  }
0x78: {  	_ =	shalt  }
0x79: {  	_ =	shalt  }
0x7a: {  	_ =	shalt  }
0x7b: {  	_ =	shalt  }
0x7c: {  	_ =	shalt  }
0x7d: {  	_ =	shalt  }
0x7e: {  	_ =	shalt  }
0x7f: {  	_ =	shalt  }
0x80: {  	_ =	shalt  }
0x81: {  	_ =	shalt  }
0x82: {  	_ =	shalt  }
0x83: {  	_ =	shalt  }
0x84: {  	_ =	shalt  }
0x85: {  	_ =	shalt  }
0x86: {  	_ =	shalt  }
0x87: {  	_ =	shalt  }
.Lfunc_end0:
.L_simem_size_0:
called_computation_lowered:
.L_overlay_start_0:
0x88: {  	s2 =	sld [smem:$0x3FD9]  }
0x89: {  	s3 =	sld [smem:$0x3FFE];
	_ =	sdelay $0x1  }
0x8a: {  	s1 =	srdreg.scid  }
0x8b: {  	s0 =	sand.u32 $0x1, s1  }
0x8c: {  	s17 =	sshll.u32 s0, $0xA;
	s2 =	sadd.s32 s3, s2  }
0x8d: {  	s2 =	sadd.s32 s2, s17  }
0x8e: {  	[smem:$0x3FC7] =	sst s2  }
0x8f: {  	_ = 	snop  }
0x90: {  	s2 =	sld [smem:$0x3FD0];
	(tm) =	ssettm $0x1  }
0x91: {  	s18 =	sld [smem:$0x3FFB];
	_ =	sdelay $0x3  }
0x92: {  	_ =	strace s18  }
0x93: {  	s3 =	sld [smem:$0x3FFC];
	_ =	sdelay $0x3  }
0x94: {  	_ =	strace s3  }
0x95: {  	s3 =	sld [smem:$0x3FFD];
	_ =	sdelay $0x3  }
0x96: {  	_ =	strace s3  }
0x97: {  	_ =	strace $0x8FFFFFFF  }
0x98: {  	s19 =	sld [smem:$0x3FDB];
	_ =	sdelay $0x1  }
0x99: {  	s4 =	simm.s32 $_scs_section_size  }
0x9a: {  	s5 =	simm.s32 $_size__tile_overlayer_lowered;
	s6 =	simm.s32 $_tile_overlayer_lowered  }
0x9b: {  	s22 =	simm.s32 $0x1BFF;
	s21 =	sshll.u32 s6, $0x1;
	s3 =	sadd.s32 s4, s19  }
0x9c: {  	s7 =	simm.s32 $0x0;
	s20 =	sshll.u32 s5, $0x1;
	s5 =	sadd.s32 s21, s3  }
0x9d: {  	[timem:s7], [sflag:s22] =	dma.local [hbm:s5], s20  }
0x9e: {  	_ =	swait.ge [sflag:s22], s20  }
0x9f: {  	s4 =	ssub.s32 $0x0, s20;
	[sflag:s22] =	ssyncset.done $0x0  }
0xa0: {  	[sflag:s22] =	ssyncadd.s32 s4;
	_ =	sdelay $0x1  }
0xa1: {  	s23 =	simm.s32 $0x1B8B  }
0xa2: {  	_ =	swait.ge [sflag:s23], $0x1  }
0xa3: {  	[sflag:s23] =	ssyncset.done $0x0  }
0xa4: {  	s25 =	simm.s32 $0x1B8E;
	s24 =	sld [smem:$0x3FFE];
	[sflag:s23] =	ssyncadd.s32 $0xFFFFFFFF  }
0xa5: {  	s26 =	simm.s32 $execute0_lowered;
	[smem:$0x3FD2] =	sst s25  }
0xa6: {  	s5 =	sshll.u32 s26, $0x1;
	_ =	strace $0x80000046;
	[dreg:$0x1] =	wrdreg $0xFFFFFFFF  }
0xa7: {  	s28 =	simm.s32 $_size_execute0_lowered;
	s3 =	sadd.s32 s3, s5;
	[dreg:$0x0] =	wrdreg $0x0  }
0xa8: {  	s5 =	sshll.u32 s28, $0x1;
	[dreg:$0x2] =	wrdreg s3  }
0xa9: {  	[dreg:$0x3] =	wrdreg s5  }
0xaa: {  	[dreg:$0x4] =	wrdreg $0xC0  }
0xab: {  	_ =	task [dreg:s7], $0x5FFFF  }
0xac: {  	[dreg:$0x1] =	wrdreg $0xFFFFFFFF  }
0xad: {  	[dreg:$0x0] =	wrdreg $0x60  }
0xae: {  	[dreg:$0x2] =	wrdreg s24  }
0xaf: {  	[dreg:$0x3] =	wrdreg s2  }
0xb0: {  	[dreg:$0x4] =	wrdreg $0x9  }
0xb1: {  	_ =	task.clear_ibuf [dreg:s7], $0x5FFFF;
	_ =	strace $0x90000046  }
0xb2: {  	s29 =	simm.s32 $0x9;
	_ =	strace $0x80000048  }
0xb3: {  	_ =	swait.ge [sflag:s29], $0x1  }
0xb4: {  	[sflag:s29] =	ssyncadd.s32 $0xFFFFFFFF  }
0xb5: {  	_ =	strace $0x90000048  }
0xb6: {  	_ =	sfence  }
0xb7: {  	s30 =	sld [smem:$0x0];
	_ =	sdelay $0x2  }
0xb8: {  	s31 =	sshll.u32 s1, $0xD;
	s1 =	sshrl.u32 s1, $0x2  }
0xb9: {  	s3 =	sand.u32 $0x4000, s31;
	s1 =	sadd.s32 s1, s30  }
0xba: {  	s0 =	sor.u32 s3, s0;
	s1 =	sshll.u32 s1, $0x11  }
0xbb: {  	s0 =	sor.u32 s1, s0  }
0xbc: {  	s0 =	sadd.s32 $0x8F2B, s0  }
0xbd: {  	[sflag:s0] =	ssyncadd.remote.s32 $0x1  }
0xbe: {  	_ =	sfence.sel $0xFFFF  }
0xbf: {  	[dreg:$0x0] =	wrdreg $0xFFFFFFFF;
	(pc) =	sbr.abs _section_cstart, $3  }
0xc0: {  	[dreg:$0x1] =	wrdreg $0xFFFFFFFF  }
0xc1: {  	_ =	task.clear_ibuf [dreg:s7], $0x2FFFF;
	_ =	strace $0x9FFFFFFF  }
0xc2: {  	(tm) =	ssettm $0x7FFFFFFF  }
0xc3: {  	_ =	shalt  }
tec
execute0_lowered:
.L_overlay_start_1:
0x0: {  	(tag) =	ssettag $0x1  }
0x1: {  	s0 =	rddreg [dreg:$0x0]  }
0x2: {  	s2 =	rddreg [dreg:$0x1]  }
0x3: {  	s1 =	srdreg.scid;
	s16 =	simm.s32 $0x0;
	s3 =	stileid.u32  }
0x4: {  	s18 =	simm.s32 $0x1000;
	s19 =	simm.s32 $0x1;
	s20 =	simm.s32 $0x2000  }
0x5: {  	s21 =	simm.s32 $0x200;
	s22 =	simm.s32 $0x400;
	s28 =	simm.s32 $0x3  }
0x6: {  	s29 =	simm.s32 $0x6;
	s30 =	simm.s32 $0x4;
	s1 =	sand.u32 $0x1, s1  }
0x7: {  	[smem:$0x7FF] =	sst s16;
	s4 =	sshll.u32 s3, $0x1;
	s26 =	sshrl.u32 s3, $0x1  }
0x8: {  	s13 =	sadd.s32 $0x40, s2;
	s5 =	ssub.s32 $0x2, s1;
	_ =	strace $0x80000047  }
0x9: {  	s1 =	sor.u32 s1, s4;
	s4 =	sadd.s32 $0x400, s0;
	s8 =	smul.u32 $0x500000, s26  }
0xa: {  	s10 =	smul.u32 $0x540000, s26;
	s11 =	sshll.u32 s26, $0x12;
	s26 =	simm.s32 $0x5  }
0xb: {  	s6 =	sshrl.u32 s5, $0x1;
	s24 =	sshll.u32 s1, $0xD;
	s1 =	sshll.u32 s1, $0x10  }
0xc: {  	s23 =	ssub.s32 s5, s6;
	s25 =	sadd.s32 s4, s24;
	s7 =	sor.u32 $0x1000, s1  }
0xd: {  	s9 =	sor.u32 $0x1800, s1;
	s12 =	sadd.s32 s1, s8;
	s14 =	sor.u32 $0x2000, s1  }
0xe: {  	s15 =	sor.u32 $0x2800, s1;
	[dreg:$0x4] =	wrdreg s25;
	s31 =	sadd.s32 $0x100, s25  }
0xf: {  	s24 =	simm.s32 $0x2;
	s0 =	smax.u32 s23, $0x1;
	[dreg:$0x5] =	wrdreg s31  }
0x10: {  	v0 =	vimm.f32 $0.0e+00;
	v1 =	vlaneseq.u32;
	v2 =	vimm.f32 $1.000000000e+00;
	s23 =	simm.s32 $0x1800;
	s25 =	simm.s32 $0xC800;
	[dreg:$0x6] =	wrdreg s0  }
.LBB2_1:
0x11: {  	s0 =	simm.s32 $0x0;
	s1 =	simm.s32 $0x2000  }
.LBB2_2:
0x12: {  	p0 =	sne.s32 s1, $0x28000;
	[tilespmem:s0+$0x27F0] =	vst v0  }
0x13: {  	[tilespmem:s0+$0x2000] =	vst v0  }
0x14: {  	[tilespmem:s0+$0x2010] =	vst v0  }
0x15: {  	[tilespmem:s0+$0x2020] =	vst v0  }
0x16: {  	[tilespmem:s0+$0x2030] =	vst v0  }
0x17: {  	[tilespmem:s0+$0x2040] =	vst v0  }
0x18: {  	[tilespmem:s0+$0x2050] =	vst v0  }
0x19: {  	[tilespmem:s0+$0x2060] =	vst v0  }
0x1a: {  	[tilespmem:s0+$0x2070] =	vst v0  }
0x1b: {  	[tilespmem:s0+$0x2200] =	vst v0  }
0x1c: {  	[tilespmem:s0+$0x2210] =	vst v0  }
0x1d: {  	[tilespmem:s0+$0x2220] =	vst v0  }
0x1e: {  	[tilespmem:s0+$0x2230] =	vst v0  }
0x1f: {  	[tilespmem:s0+$0x2240] =	vst v0  }
0x20: {  	[tilespmem:s0+$0x2250] =	vst v0  }
0x21: {  	[tilespmem:s0+$0x2260] =	vst v0  }
0x22: {  	[tilespmem:s0+$0x2270] =	vst v0  }
0x23: {  	[tilespmem:s0+$0x2400] =	vst v0  }
0x24: {  	[tilespmem:s0+$0x2410] =	vst v0  }
0x25: {  	[tilespmem:s0+$0x2420] =	vst v0  }
0x26: {  	[tilespmem:s0+$0x2430] =	vst v0  }
0x27: {  	[tilespmem:s0+$0x2440] =	vst v0  }
0x28: {  	[tilespmem:s0+$0x2450] =	vst v0  }
0x29: {  	[tilespmem:s0+$0x2460] =	vst v0  }
0x2a: {  	[tilespmem:s0+$0x2470] =	vst v0  }
0x2b: {  	[tilespmem:s0+$0x2600] =	vst v0  }
0x2c: {  	[tilespmem:s0+$0x2610] =	vst v0  }
0x2d: {  	[tilespmem:s0+$0x2620] =	vst v0  }
0x2e: {  	[tilespmem:s0+$0x2630] =	vst v0  }
0x2f: {  	[tilespmem:s0+$0x2640] =	vst v0  }
0x30: {  	[tilespmem:s0+$0x2650] =	vst v0  }
0x31: {  	[tilespmem:s0+$0x2660] =	vst v0  }
0x32: {  	[tilespmem:s0+$0x2670] =	vst v0  }
0x33: {  	[tilespmem:s0+$0x2080] =	vst v0  }
0x34: {  	[tilespmem:s0+$0x2090] =	vst v0  }
0x35: {  	[tilespmem:s0+$0x20A0] =	vst v0  }
0x36: {  	[tilespmem:s0+$0x20B0] =	vst v0  }
0x37: {  	[tilespmem:s0+$0x20C0] =	vst v0  }
0x38: {  	[tilespmem:s0+$0x20D0] =	vst v0  }
0x39: {  	[tilespmem:s0+$0x20E0] =	vst v0  }
0x3a: {  	[tilespmem:s0+$0x20F0] =	vst v0  }
0x3b: {  	[tilespmem:s0+$0x2280] =	vst v0  }
0x3c: {  	[tilespmem:s0+$0x2290] =	vst v0  }
0x3d: {  	[tilespmem:s0+$0x22A0] =	vst v0  }
0x3e: {  	[tilespmem:s0+$0x22B0] =	vst v0  }
0x3f: {  	[tilespmem:s0+$0x22C0] =	vst v0  }
0x40: {  	[tilespmem:s0+$0x22D0] =	vst v0  }
0x41: {  	[tilespmem:s0+$0x22E0] =	vst v0  }
0x42: {  	[tilespmem:s0+$0x22F0] =	vst v0  }
0x43: {  	[tilespmem:s0+$0x2480] =	vst v0  }
0x44: {  	[tilespmem:s0+$0x2490] =	vst v0  }
0x45: {  	[tilespmem:s0+$0x24A0] =	vst v0  }
0x46: {  	[tilespmem:s0+$0x24B0] =	vst v0  }
0x47: {  	[tilespmem:s0+$0x24C0] =	vst v0  }
0x48: {  	[tilespmem:s0+$0x24D0] =	vst v0  }
0x49: {  	[tilespmem:s0+$0x24E0] =	vst v0  }
0x4a: {  	[tilespmem:s0+$0x24F0] =	vst v0  }
0x4b: {  	[tilespmem:s0+$0x2680] =	vst v0  }
0x4c: {  	[tilespmem:s0+$0x2690] =	vst v0  }
0x4d: {  	[tilespmem:s0+$0x26A0] =	vst v0  }
0x4e: {  	[tilespmem:s0+$0x26B0] =	vst v0  }
0x4f: {  	[tilespmem:s0+$0x26C0] =	vst v0  }
0x50: {  	[tilespmem:s0+$0x26D0] =	vst v0  }
0x51: {  	[tilespmem:s0+$0x26E0] =	vst v0  }
0x52: {  	[tilespmem:s0+$0x26F0] =	vst v0  }
0x53: {  	[tilespmem:s0+$0x2100] =	vst v0  }
0x54: {  	[tilespmem:s0+$0x2110] =	vst v0  }
0x55: {  	[tilespmem:s0+$0x2120] =	vst v0  }
0x56: {  	[tilespmem:s0+$0x2130] =	vst v0  }
0x57: {  	[tilespmem:s0+$0x2140] =	vst v0  }
0x58: {  	[tilespmem:s0+$0x2150] =	vst v0  }
0x59: {  	[tilespmem:s0+$0x2160] =	vst v0  }
0x5a: {  	[tilespmem:s0+$0x2170] =	vst v0  }
0x5b: {  	[tilespmem:s0+$0x2300] =	vst v0  }
0x5c: {  	[tilespmem:s0+$0x2310] =	vst v0  }
0x5d: {  	[tilespmem:s0+$0x2320] =	vst v0  }
0x5e: {  	[tilespmem:s0+$0x2330] =	vst v0  }
0x5f: {  	[tilespmem:s0+$0x2340] =	vst v0  }
0x60: {  	[tilespmem:s0+$0x2350] =	vst v0  }
0x61: {  	[tilespmem:s0+$0x2360] =	vst v0  }
0x62: {  	[tilespmem:s0+$0x2370] =	vst v0  }
0x63: {  	[tilespmem:s0+$0x2500] =	vst v0  }
0x64: {  	[tilespmem:s0+$0x2510] =	vst v0  }
0x65: {  	[tilespmem:s0+$0x2520] =	vst v0  }
0x66: {  	[tilespmem:s0+$0x2530] =	vst v0  }
0x67: {  	[tilespmem:s0+$0x2540] =	vst v0  }
0x68: {  	[tilespmem:s0+$0x2550] =	vst v0  }
0x69: {  	[tilespmem:s0+$0x2560] =	vst v0  }
0x6a: {  	[tilespmem:s0+$0x2570] =	vst v0  }
0x6b: {  	[tilespmem:s0+$0x2700] =	vst v0  }
0x6c: {  	[tilespmem:s0+$0x2710] =	vst v0  }
0x6d: {  	[tilespmem:s0+$0x2720] =	vst v0  }
0x6e: {  	[tilespmem:s0+$0x2730] =	vst v0  }
0x6f: {  	[tilespmem:s0+$0x2740] =	vst v0  }
0x70: {  	[tilespmem:s0+$0x2750] =	vst v0  }
0x71: {  	[tilespmem:s0+$0x2760] =	vst v0  }
0x72: {  	[tilespmem:s0+$0x2770] =	vst v0  }
0x73: {  	[tilespmem:s0+$0x2180] =	vst v0  }
0x74: {  	[tilespmem:s0+$0x2190] =	vst v0  }
0x75: {  	[tilespmem:s0+$0x21A0] =	vst v0  }
0x76: {  	[tilespmem:s0+$0x21B0] =	vst v0  }
0x77: {  	[tilespmem:s0+$0x21C0] =	vst v0  }
0x78: {  	[tilespmem:s0+$0x21D0] =	vst v0  }
0x79: {  	[tilespmem:s0+$0x21E0] =	vst v0  }
0x7a: {  	[tilespmem:s0+$0x21F0] =	vst v0  }
0x7b: {  	[tilespmem:s0+$0x2380] =	vst v0  }
0x7c: {  	[tilespmem:s0+$0x2390] =	vst v0  }
0x7d: {  	[tilespmem:s0+$0x23A0] =	vst v0  }
0x7e: {  	[tilespmem:s0+$0x23B0] =	vst v0  }
0x7f: {  	[tilespmem:s0+$0x23C0] =	vst v0  }
0x80: {  	[tilespmem:s0+$0x23D0] =	vst v0  }
0x81: {  	[tilespmem:s0+$0x23E0] =	vst v0  }
0x82: {  	[tilespmem:s0+$0x23F0] =	vst v0  }
0x83: {  	[tilespmem:s0+$0x2580] =	vst v0  }
0x84: {  	[tilespmem:s0+$0x2590] =	vst v0  }
0x85: {  	[tilespmem:s0+$0x25A0] =	vst v0  }
0x86: {  	[tilespmem:s0+$0x25B0] =	vst v0  }
0x87: {  	[tilespmem:s0+$0x25C0] =	vst v0  }
0x88: {  	[tilespmem:s0+$0x25D0] =	vst v0  }
0x89: {  	[tilespmem:s0+$0x25E0] =	vst v0  }
0x8a: {  	[tilespmem:s0+$0x25F0] =	vst v0  }
0x8b: {  	[tilespmem:s0+$0x2780] =	vst v0  }
0x8c: {  	[tilespmem:s0+$0x2790] =	vst v0  }
.Ltmp0:
0x8d: {  	[tilespmem:s0+$0x27A0] =	vst v0;
	(pc) =	sbr.rel @p0 .LBB2_2-.Ltmp0, $4  }
0x8e: {  	[tilespmem:s0+$0x27B0] =	vst v0  }
0x8f: {  	[tilespmem:s0+$0x27C0] =	vst v0  }
0x90: {  	[tilespmem:s0+$0x27D0] =	vst v0  }
0x91: {  	[tilespmem:s0+$0x27E0] =	vst v0;
	s0 =	sshra.s32 s1, $0x2;
	s1 =	sadd.s32 $0x2000, s1  }
0x92: {  	[tilespmem:s0+$0x27F0] =	vst v0  }
0x93: {  	[tilespmem:s0+$0x2000] =	vst v0  }
0x94: {  	[tilespmem:s0+$0x2010] =	vst v0  }
0x95: {  	[tilespmem:s0+$0x2020] =	vst v0  }
0x96: {  	[tilespmem:s0+$0x2030] =	vst v0  }
0x97: {  	[tilespmem:s0+$0x2040] =	vst v0  }
0x98: {  	[tilespmem:s0+$0x2050] =	vst v0  }
0x99: {  	[tilespmem:s0+$0x2060] =	vst v0  }
0x9a: {  	[tilespmem:s0+$0x2070] =	vst v0  }
0x9b: {  	[tilespmem:s0+$0x2200] =	vst v0  }
0x9c: {  	[tilespmem:s0+$0x2210] =	vst v0  }
0x9d: {  	[tilespmem:s0+$0x2220] =	vst v0  }
0x9e: {  	[tilespmem:s0+$0x2230] =	vst v0  }
0x9f: {  	[tilespmem:s0+$0x2240] =	vst v0  }
0xa0: {  	[tilespmem:s0+$0x2250] =	vst v0  }
0xa1: {  	[tilespmem:s0+$0x2260] =	vst v0  }
0xa2: {  	[tilespmem:s0+$0x2270] =	vst v0  }
0xa3: {  	[tilespmem:s0+$0x2400] =	vst v0  }
0xa4: {  	[tilespmem:s0+$0x2410] =	vst v0  }
0xa5: {  	[tilespmem:s0+$0x2420] =	vst v0  }
0xa6: {  	[tilespmem:s0+$0x2430] =	vst v0  }
0xa7: {  	[tilespmem:s0+$0x2440] =	vst v0  }
0xa8: {  	[tilespmem:s0+$0x2450] =	vst v0  }
0xa9: {  	[tilespmem:s0+$0x2460] =	vst v0  }
0xaa: {  	[tilespmem:s0+$0x2470] =	vst v0  }
0xab: {  	[tilespmem:s0+$0x2600] =	vst v0  }
0xac: {  	[tilespmem:s0+$0x2610] =	vst v0  }
0xad: {  	[tilespmem:s0+$0x2620] =	vst v0  }
0xae: {  	[tilespmem:s0+$0x2630] =	vst v0  }
0xaf: {  	[tilespmem:s0+$0x2640] =	vst v0  }
0xb0: {  	[tilespmem:s0+$0x2650] =	vst v0  }
0xb1: {  	[tilespmem:s0+$0x2660] =	vst v0  }
0xb2: {  	[tilespmem:s0+$0x2670] =	vst v0  }
0xb3: {  	[tilespmem:s0+$0x2080] =	vst v0  }
0xb4: {  	[tilespmem:s0+$0x2090] =	vst v0  }
0xb5: {  	[tilespmem:s0+$0x20A0] =	vst v0  }
0xb6: {  	[tilespmem:s0+$0x20B0] =	vst v0  }
0xb7: {  	[tilespmem:s0+$0x20C0] =	vst v0  }
0xb8: {  	[tilespmem:s0+$0x20D0] =	vst v0  }
0xb9: {  	[tilespmem:s0+$0x20E0] =	vst v0  }
0xba: {  	[tilespmem:s0+$0x20F0] =	vst v0  }
0xbb: {  	[tilespmem:s0+$0x2280] =	vst v0  }
0xbc: {  	[tilespmem:s0+$0x2290] =	vst v0  }
0xbd: {  	[tilespmem:s0+$0x22A0] =	vst v0  }
0xbe: {  	[tilespmem:s0+$0x22B0] =	vst v0  }
0xbf: {  	[tilespmem:s0+$0x22C0] =	vst v0  }
0xc0: {  	[tilespmem:s0+$0x22D0] =	vst v0  }
0xc1: {  	[tilespmem:s0+$0x22E0] =	vst v0  }
0xc2: {  	[tilespmem:s0+$0x22F0] =	vst v0  }
0xc3: {  	[tilespmem:s0+$0x2480] =	vst v0  }
0xc4: {  	[tilespmem:s0+$0x2490] =	vst v0  }
0xc5: {  	[tilespmem:s0+$0x24A0] =	vst v0  }
0xc6: {  	[tilespmem:s0+$0x24B0] =	vst v0  }
0xc7: {  	[tilespmem:s0+$0x24C0] =	vst v0  }
0xc8: {  	[tilespmem:s0+$0x24D0] =	vst v0  }
0xc9: {  	[tilespmem:s0+$0x24E0] =	vst v0  }
0xca: {  	[tilespmem:s0+$0x24F0] =	vst v0  }
0xcb: {  	[tilespmem:s0+$0x2680] =	vst v0  }
0xcc: {  	[tilespmem:s0+$0x2690] =	vst v0  }
0xcd: {  	[tilespmem:s0+$0x26A0] =	vst v0  }
0xce: {  	[tilespmem:s0+$0x26B0] =	vst v0  }
0xcf: {  	[tilespmem:s0+$0x26C0] =	vst v0  }
0xd0: {  	[tilespmem:s0+$0x26D0] =	vst v0  }
0xd1: {  	[tilespmem:s0+$0x26E0] =	vst v0  }
0xd2: {  	[tilespmem:s0+$0x26F0] =	vst v0  }
0xd3: {  	[tilespmem:s0+$0x2100] =	vst v0  }
0xd4: {  	[tilespmem:s0+$0x2110] =	vst v0  }
0xd5: {  	[tilespmem:s0+$0x2120] =	vst v0  }
0xd6: {  	[tilespmem:s0+$0x2130] =	vst v0  }
0xd7: {  	[tilespmem:s0+$0x2140] =	vst v0  }
0xd8: {  	[tilespmem:s0+$0x2150] =	vst v0  }
0xd9: {  	[tilespmem:s0+$0x2160] =	vst v0  }
0xda: {  	[tilespmem:s0+$0x2170] =	vst v0  }
0xdb: {  	[tilespmem:s0+$0x2300] =	vst v0  }
0xdc: {  	[tilespmem:s0+$0x2310] =	vst v0  }
0xdd: {  	[tilespmem:s0+$0x2320] =	vst v0  }
0xde: {  	[tilespmem:s0+$0x2330] =	vst v0  }
0xdf: {  	[tilespmem:s0+$0x2340] =	vst v0  }
0xe0: {  	[tilespmem:s0+$0x2350] =	vst v0  }
0xe1: {  	[tilespmem:s0+$0x2360] =	vst v0  }
0xe2: {  	[tilespmem:s0+$0x2370] =	vst v0  }
0xe3: {  	[tilespmem:s0+$0x2500] =	vst v0  }
0xe4: {  	[tilespmem:s0+$0x2510] =	vst v0  }
0xe5: {  	[tilespmem:s0+$0x2520] =	vst v0  }
0xe6: {  	[tilespmem:s0+$0x2530] =	vst v0  }
0xe7: {  	[tilespmem:s0+$0x2540] =	vst v0  }
0xe8: {  	[tilespmem:s0+$0x2550] =	vst v0  }
0xe9: {  	[tilespmem:s0+$0x2560] =	vst v0  }
0xea: {  	[tilespmem:s0+$0x2570] =	vst v0  }
0xeb: {  	[tilespmem:s0+$0x2700] =	vst v0  }
0xec: {  	[tilespmem:s0+$0x2710] =	vst v0  }
0xed: {  	[tilespmem:s0+$0x2720] =	vst v0  }
0xee: {  	[tilespmem:s0+$0x2730] =	vst v0  }
0xef: {  	[tilespmem:s0+$0x2740] =	vst v0  }
0xf0: {  	[tilespmem:s0+$0x2750] =	vst v0  }
0xf1: {  	[tilespmem:s0+$0x2760] =	vst v0  }
0xf2: {  	[tilespmem:s0+$0x2770] =	vst v0  }
0xf3: {  	[tilespmem:s0+$0x2180] =	vst v0  }
0xf4: {  	[tilespmem:s0+$0x2190] =	vst v0  }
0xf5: {  	[tilespmem:s0+$0x21A0] =	vst v0  }
0xf6: {  	[tilespmem:s0+$0x21B0] =	vst v0  }
0xf7: {  	[tilespmem:s0+$0x21C0] =	vst v0  }
0xf8: {  	[tilespmem:s0+$0x21D0] =	vst v0  }
0xf9: {  	[tilespmem:s0+$0x21E0] =	vst v0  }
0xfa: {  	[tilespmem:s0+$0x21F0] =	vst v0  }
0xfb: {  	[tilespmem:s0+$0x2380] =	vst v0  }
0xfc: {  	[tilespmem:s0+$0x2390] =	vst v0  }
0xfd: {  	[tilespmem:s0+$0x23A0] =	vst v0  }
0xfe: {  	[tilespmem:s0+$0x23B0] =	vst v0  }
0xff: {  	[tilespmem:s0+$0x23C0] =	vst v0  }
0x100: {  	[tilespmem:s0+$0x23D0] =	vst v0  }
0x101: {  	[tilespmem:s0+$0x23E0] =	vst v0  }
0x102: {  	[tilespmem:s0+$0x23F0] =	vst v0  }
0x103: {  	[tilespmem:s0+$0x2580] =	vst v0  }
0x104: {  	[tilespmem:s0+$0x2590] =	vst v0  }
0x105: {  	[tilespmem:s0+$0x25A0] =	vst v0  }
0x106: {  	[tilespmem:s0+$0x25B0] =	vst v0  }
0x107: {  	[tilespmem:s0+$0x25C0] =	vst v0  }
0x108: {  	[tilespmem:s0+$0x25D0] =	vst v0  }
0x109: {  	[tilespmem:s0+$0x25E0] =	vst v0  }
0x10a: {  	[tilespmem:s0+$0x25F0] =	vst v0  }
0x10b: {  	[tilespmem:s0+$0x2780] =	vst v0  }
0x10c: {  	[tilespmem:s0+$0x2790] =	vst v0  }
0x10d: {  	[tilespmem:s0+$0x27A0] =	vst v0  }
0x10e: {  	[tilespmem:s0+$0x27B0] =	vst v0  }
0x10f: {  	[tilespmem:s0+$0x27C0] =	vst v0  }
0x110: {  	[tilespmem:s0+$0x27D0] =	vst v0  }
0x111: {  	[dreg:$0x3] =	wrdreg s16;
	[tilespmem:s0+$0x27E0] =	vst v0;
	s0 =	simm.s32 $0x0;
	s1 =	simm.s32 $0x2000  }
.LBB2_4:
0x112: {  	p0 =	sne.s32 s1, $0x28000;
	[tilespmem:s0+$0xCFF0] =	vst v0  }
0x113: {  	[tilespmem:s0+$0xC800] =	vst v0  }
0x114: {  	[tilespmem:s0+$0xC810] =	vst v0  }
0x115: {  	[tilespmem:s0+$0xC820] =	vst v0  }
0x116: {  	[tilespmem:s0+$0xC830] =	vst v0  }
0x117: {  	[tilespmem:s0+$0xC840] =	vst v0  }
0x118: {  	[tilespmem:s0+$0xC850] =	vst v0  }
0x119: {  	[tilespmem:s0+$0xC860] =	vst v0  }
0x11a: {  	[tilespmem:s0+$0xC870] =	vst v0  }
0x11b: {  	[tilespmem:s0+$0xCA00] =	vst v0  }
0x11c: {  	[tilespmem:s0+$0xCA10] =	vst v0  }
0x11d: {  	[tilespmem:s0+$0xCA20] =	vst v0  }
0x11e: {  	[tilespmem:s0+$0xCA30] =	vst v0  }
0x11f: {  	[tilespmem:s0+$0xCA40] =	vst v0  }
0x120: {  	[tilespmem:s0+$0xCA50] =	vst v0  }
0x121: {  	[tilespmem:s0+$0xCA60] =	vst v0  }
0x122: {  	[tilespmem:s0+$0xCA70] =	vst v0  }
0x123: {  	[tilespmem:s0+$0xCC00] =	vst v0  }
0x124: {  	[tilespmem:s0+$0xCC10] =	vst v0  }
0x125: {  	[tilespmem:s0+$0xCC20] =	vst v0  }
0x126: {  	[tilespmem:s0+$0xCC30] =	vst v0  }
0x127: {  	[tilespmem:s0+$0xCC40] =	vst v0  }
0x128: {  	[tilespmem:s0+$0xCC50] =	vst v0  }
0x129: {  	[tilespmem:s0+$0xCC60] =	vst v0  }
0x12a: {  	[tilespmem:s0+$0xCC70] =	vst v0  }
0x12b: {  	[tilespmem:s0+$0xCE00] =	vst v0  }
0x12c: {  	[tilespmem:s0+$0xCE10] =	vst v0  }
0x12d: {  	[tilespmem:s0+$0xCE20] =	vst v0  }
0x12e: {  	[tilespmem:s0+$0xCE30] =	vst v0  }
0x12f: {  	[tilespmem:s0+$0xCE40] =	vst v0  }
0x130: {  	[tilespmem:s0+$0xCE50] =	vst v0  }
0x131: {  	[tilespmem:s0+$0xCE60] =	vst v0  }
0x132: {  	[tilespmem:s0+$0xCE70] =	vst v0  }
0x133: {  	[tilespmem:s0+$0xC880] =	vst v0  }
0x134: {  	[tilespmem:s0+$0xC890] =	vst v0  }
0x135: {  	[tilespmem:s0+$0xC8A0] =	vst v0  }
0x136: {  	[tilespmem:s0+$0xC8B0] =	vst v0  }
0x137: {  	[tilespmem:s0+$0xC8C0] =	vst v0  }
0x138: {  	[tilespmem:s0+$0xC8D0] =	vst v0  }
0x139: {  	[tilespmem:s0+$0xC8E0] =	vst v0  }
0x13a: {  	[tilespmem:s0+$0xC8F0] =	vst v0  }
0x13b: {  	[tilespmem:s0+$0xCA80] =	vst v0  }
0x13c: {  	[tilespmem:s0+$0xCA90] =	vst v0  }
0x13d: {  	[tilespmem:s0+$0xCAA0] =	vst v0  }
0x13e: {  	[tilespmem:s0+$0xCAB0] =	vst v0  }
0x13f: {  	[tilespmem:s0+$0xCAC0] =	vst v0  }
0x140: {  	[tilespmem:s0+$0xCAD0] =	vst v0  }
0x141: {  	[tilespmem:s0+$0xCAE0] =	vst v0  }
0x142: {  	[tilespmem:s0+$0xCAF0] =	vst v0  }
0x143: {  	[tilespmem:s0+$0xCC80] =	vst v0  }
0x144: {  	[tilespmem:s0+$0xCC90] =	vst v0  }
0x145: {  	[tilespmem:s0+$0xCCA0] =	vst v0  }
0x146: {  	[tilespmem:s0+$0xCCB0] =	vst v0  }
0x147: {  	[tilespmem:s0+$0xCCC0] =	vst v0  }
0x148: {  	[tilespmem:s0+$0xCCD0] =	vst v0  }
0x149: {  	[tilespmem:s0+$0xCCE0] =	vst v0  }
0x14a: {  	[tilespmem:s0+$0xCCF0] =	vst v0  }
0x14b: {  	[tilespmem:s0+$0xCE80] =	vst v0  }
0x14c: {  	[tilespmem:s0+$0xCE90] =	vst v0  }
0x14d: {  	[tilespmem:s0+$0xCEA0] =	vst v0  }
0x14e: {  	[tilespmem:s0+$0xCEB0] =	vst v0  }
0x14f: {  	[tilespmem:s0+$0xCEC0] =	vst v0  }
0x150: {  	[tilespmem:s0+$0xCED0] =	vst v0  }
0x151: {  	[tilespmem:s0+$0xCEE0] =	vst v0  }
0x152: {  	[tilespmem:s0+$0xCEF0] =	vst v0  }
0x153: {  	[tilespmem:s0+$0xC900] =	vst v0  }
0x154: {  	[tilespmem:s0+$0xC910] =	vst v0  }
0x155: {  	[tilespmem:s0+$0xC920] =	vst v0  }
0x156: {  	[tilespmem:s0+$0xC930] =	vst v0  }
0x157: {  	[tilespmem:s0+$0xC940] =	vst v0  }
0x158: {  	[tilespmem:s0+$0xC950] =	vst v0  }
0x159: {  	[tilespmem:s0+$0xC960] =	vst v0  }
0x15a: {  	[tilespmem:s0+$0xC970] =	vst v0  }
0x15b: {  	[tilespmem:s0+$0xCB00] =	vst v0  }
0x15c: {  	[tilespmem:s0+$0xCB10] =	vst v0  }
0x15d: {  	[tilespmem:s0+$0xCB20] =	vst v0  }
0x15e: {  	[tilespmem:s0+$0xCB30] =	vst v0  }
0x15f: {  	[tilespmem:s0+$0xCB40] =	vst v0  }
0x160: {  	[tilespmem:s0+$0xCB50] =	vst v0  }
0x161: {  	[tilespmem:s0+$0xCB60] =	vst v0  }
0x162: {  	[tilespmem:s0+$0xCB70] =	vst v0  }
0x163: {  	[tilespmem:s0+$0xCD00] =	vst v0  }
0x164: {  	[tilespmem:s0+$0xCD10] =	vst v0  }
0x165: {  	[tilespmem:s0+$0xCD20] =	vst v0  }
0x166: {  	[tilespmem:s0+$0xCD30] =	vst v0  }
0x167: {  	[tilespmem:s0+$0xCD40] =	vst v0  }
0x168: {  	[tilespmem:s0+$0xCD50] =	vst v0  }
0x169: {  	[tilespmem:s0+$0xCD60] =	vst v0  }
0x16a: {  	[tilespmem:s0+$0xCD70] =	vst v0  }
0x16b: {  	[tilespmem:s0+$0xCF00] =	vst v0  }
0x16c: {  	[tilespmem:s0+$0xCF10] =	vst v0  }
0x16d: {  	[tilespmem:s0+$0xCF20] =	vst v0  }
0x16e: {  	[tilespmem:s0+$0xCF30] =	vst v0  }
0x16f: {  	[tilespmem:s0+$0xCF40] =	vst v0  }
0x170: {  	[tilespmem:s0+$0xCF50] =	vst v0  }
0x171: {  	[tilespmem:s0+$0xCF60] =	vst v0  }
0x172: {  	[tilespmem:s0+$0xCF70] =	vst v0  }
0x173: {  	[tilespmem:s0+$0xC980] =	vst v0  }
0x174: {  	[tilespmem:s0+$0xC990] =	vst v0  }
0x175: {  	[tilespmem:s0+$0xC9A0] =	vst v0  }
0x176: {  	[tilespmem:s0+$0xC9B0] =	vst v0  }
0x177: {  	[tilespmem:s0+$0xC9C0] =	vst v0  }
0x178: {  	[tilespmem:s0+$0xC9D0] =	vst v0  }
0x179: {  	[tilespmem:s0+$0xC9E0] =	vst v0  }
0x17a: {  	[tilespmem:s0+$0xC9F0] =	vst v0  }
0x17b: {  	[tilespmem:s0+$0xCB80] =	vst v0  }
0x17c: {  	[tilespmem:s0+$0xCB90] =	vst v0  }
0x17d: {  	[tilespmem:s0+$0xCBA0] =	vst v0  }
0x17e: {  	[tilespmem:s0+$0xCBB0] =	vst v0  }
0x17f: {  	[tilespmem:s0+$0xCBC0] =	vst v0  }
0x180: {  	[tilespmem:s0+$0xCBD0] =	vst v0  }
0x181: {  	[tilespmem:s0+$0xCBE0] =	vst v0  }
0x182: {  	[tilespmem:s0+$0xCBF0] =	vst v0  }
0x183: {  	[tilespmem:s0+$0xCD80] =	vst v0  }
0x184: {  	[tilespmem:s0+$0xCD90] =	vst v0  }
0x185: {  	[tilespmem:s0+$0xCDA0] =	vst v0  }
0x186: {  	[tilespmem:s0+$0xCDB0] =	vst v0  }
0x187: {  	[tilespmem:s0+$0xCDC0] =	vst v0  }
0x188: {  	[tilespmem:s0+$0xCDD0] =	vst v0  }
0x189: {  	[tilespmem:s0+$0xCDE0] =	vst v0  }
0x18a: {  	[tilespmem:s0+$0xCDF0] =	vst v0  }
0x18b: {  	[tilespmem:s0+$0xCF80] =	vst v0  }
0x18c: {  	[tilespmem:s0+$0xCF90] =	vst v0  }
.Ltmp1:
0x18d: {  	[tilespmem:s0+$0xCFA0] =	vst v0;
	(pc) =	sbr.rel @p0 .LBB2_4-.Ltmp1, $4  }
0x18e: {  	[tilespmem:s0+$0xCFB0] =	vst v0  }
0x18f: {  	[tilespmem:s0+$0xCFC0] =	vst v0  }
0x190: {  	[tilespmem:s0+$0xCFD0] =	vst v0  }
0x191: {  	[tilespmem:s0+$0xCFE0] =	vst v0;
	s0 =	sshra.s32 s1, $0x2;
	s1 =	sadd.s32 $0x2000, s1  }
0x192: {  	[tilespmem:s0+$0xCFF0] =	vst v0  }
0x193: {  	[tilespmem:s0+$0xC800] =	vst v0  }
0x194: {  	[tilespmem:s0+$0xC810] =	vst v0  }
0x195: {  	[tilespmem:s0+$0xC820] =	vst v0  }
0x196: {  	[tilespmem:s0+$0xC830] =	vst v0  }
0x197: {  	[tilespmem:s0+$0xC840] =	vst v0  }
0x198: {  	[tilespmem:s0+$0xC850] =	vst v0  }
0x199: {  	[tilespmem:s0+$0xC860] =	vst v0  }
0x19a: {  	[tilespmem:s0+$0xC870] =	vst v0  }
0x19b: {  	[tilespmem:s0+$0xCA00] =	vst v0  }
0x19c: {  	[tilespmem:s0+$0xCA10] =	vst v0  }
0x19d: {  	[tilespmem:s0+$0xCA20] =	vst v0  }
0x19e: {  	[tilespmem:s0+$0xCA30] =	vst v0  }
0x19f: {  	[tilespmem:s0+$0xCA40] =	vst v0  }
0x1a0: {  	[tilespmem:s0+$0xCA50] =	vst v0  }
0x1a1: {  	[tilespmem:s0+$0xCA60] =	vst v0  }
0x1a2: {  	[tilespmem:s0+$0xCA70] =	vst v0  }
0x1a3: {  	[tilespmem:s0+$0xCC00] =	vst v0  }
0x1a4: {  	[tilespmem:s0+$0xCC10] =	vst v0  }
0x1a5: {  	[tilespmem:s0+$0xCC20] =	vst v0  }
0x1a6: {  	[tilespmem:s0+$0xCC30] =	vst v0  }
0x1a7: {  	[tilespmem:s0+$0xCC40] =	vst v0  }
0x1a8: {  	[tilespmem:s0+$0xCC50] =	vst v0  }
0x1a9: {  	[tilespmem:s0+$0xCC60] =	vst v0  }
0x1aa: {  	[tilespmem:s0+$0xCC70] =	vst v0  }
0x1ab: {  	[tilespmem:s0+$0xCE00] =	vst v0  }
0x1ac: {  	[tilespmem:s0+$0xCE10] =	vst v0  }
0x1ad: {  	[tilespmem:s0+$0xCE20] =	vst v0  }
0x1ae: {  	[tilespmem:s0+$0xCE30] =	vst v0  }
0x1af: {  	[tilespmem:s0+$0xCE40] =	vst v0  }
0x1b0: {  	[tilespmem:s0+$0xCE50] =	vst v0  }
0x1b1: {  	[tilespmem:s0+$0xCE60] =	vst v0  }
0x1b2: {  	[tilespmem:s0+$0xCE70] =	vst v0  }
0x1b3: {  	[tilespmem:s0+$0xC880] =	vst v0  }
0x1b4: {  	[tilespmem:s0+$0xC890] =	vst v0  }
0x1b5: {  	[tilespmem:s0+$0xC8A0] =	vst v0  }
0x1b6: {  	[tilespmem:s0+$0xC8B0] =	vst v0  }
0x1b7: {  	[tilespmem:s0+$0xC8C0] =	vst v0  }
0x1b8: {  	[tilespmem:s0+$0xC8D0] =	vst v0  }
0x1b9: {  	[tilespmem:s0+$0xC8E0] =	vst v0  }
0x1ba: {  	[tilespmem:s0+$0xC8F0] =	vst v0  }
0x1bb: {  	[tilespmem:s0+$0xCA80] =	vst v0  }
0x1bc: {  	[tilespmem:s0+$0xCA90] =	vst v0  }
0x1bd: {  	[tilespmem:s0+$0xCAA0] =	vst v0  }
0x1be: {  	[tilespmem:s0+$0xCAB0] =	vst v0  }
0x1bf: {  	[tilespmem:s0+$0xCAC0] =	vst v0  }
0x1c0: {  	[tilespmem:s0+$0xCAD0] =	vst v0  }
0x1c1: {  	[tilespmem:s0+$0xCAE0] =	vst v0  }
0x1c2: {  	[tilespmem:s0+$0xCAF0] =	vst v0  }
0x1c3: {  	[tilespmem:s0+$0xCC80] =	vst v0  }
0x1c4: {  	[tilespmem:s0+$0xCC90] =	vst v0  }
0x1c5: {  	[tilespmem:s0+$0xCCA0] =	vst v0  }
0x1c6: {  	[tilespmem:s0+$0xCCB0] =	vst v0  }
0x1c7: {  	[tilespmem:s0+$0xCCC0] =	vst v0  }
0x1c8: {  	[tilespmem:s0+$0xCCD0] =	vst v0  }
0x1c9: {  	[tilespmem:s0+$0xCCE0] =	vst v0  }
0x1ca: {  	[tilespmem:s0+$0xCCF0] =	vst v0  }
0x1cb: {  	[tilespmem:s0+$0xCE80] =	vst v0  }
0x1cc: {  	[tilespmem:s0+$0xCE90] =	vst v0  }
0x1cd: {  	[tilespmem:s0+$0xCEA0] =	vst v0  }
0x1ce: {  	[tilespmem:s0+$0xCEB0] =	vst v0  }
0x1cf: {  	[tilespmem:s0+$0xCEC0] =	vst v0  }
0x1d0: {  	[tilespmem:s0+$0xCED0] =	vst v0  }
0x1d1: {  	[tilespmem:s0+$0xCEE0] =	vst v0  }
0x1d2: {  	[tilespmem:s0+$0xCEF0] =	vst v0  }
0x1d3: {  	[tilespmem:s0+$0xC900] =	vst v0  }
0x1d4: {  	[tilespmem:s0+$0xC910] =	vst v0  }
0x1d5: {  	[tilespmem:s0+$0xC920] =	vst v0  }
0x1d6: {  	[tilespmem:s0+$0xC930] =	vst v0  }
0x1d7: {  	[tilespmem:s0+$0xC940] =	vst v0  }
0x1d8: {  	[tilespmem:s0+$0xC950] =	vst v0  }
0x1d9: {  	[tilespmem:s0+$0xC960] =	vst v0  }
0x1da: {  	[tilespmem:s0+$0xC970] =	vst v0  }
0x1db: {  	[tilespmem:s0+$0xCB00] =	vst v0  }
0x1dc: {  	[tilespmem:s0+$0xCB10] =	vst v0  }
0x1dd: {  	[tilespmem:s0+$0xCB20] =	vst v0  }
0x1de: {  	[tilespmem:s0+$0xCB30] =	vst v0  }
0x1df: {  	[tilespmem:s0+$0xCB40] =	vst v0  }
0x1e0: {  	[tilespmem:s0+$0xCB50] =	vst v0  }
0x1e1: {  	[tilespmem:s0+$0xCB60] =	vst v0  }
0x1e2: {  	[tilespmem:s0+$0xCB70] =	vst v0  }
0x1e3: {  	[tilespmem:s0+$0xCD00] =	vst v0  }
0x1e4: {  	[tilespmem:s0+$0xCD10] =	vst v0  }
0x1e5: {  	[tilespmem:s0+$0xCD20] =	vst v0  }
0x1e6: {  	[tilespmem:s0+$0xCD30] =	vst v0  }
0x1e7: {  	[tilespmem:s0+$0xCD40] =	vst v0  }
0x1e8: {  	[tilespmem:s0+$0xCD50] =	vst v0  }
0x1e9: {  	[tilespmem:s0+$0xCD60] =	vst v0  }
0x1ea: {  	[tilespmem:s0+$0xCD70] =	vst v0  }
0x1eb: {  	[tilespmem:s0+$0xCF00] =	vst v0  }
0x1ec: {  	[tilespmem:s0+$0xCF10] =	vst v0  }
0x1ed: {  	[tilespmem:s0+$0xCF20] =	vst v0  }
0x1ee: {  	[tilespmem:s0+$0xCF30] =	vst v0  }
0x1ef: {  	[tilespmem:s0+$0xCF40] =	vst v0  }
0x1f0: {  	[tilespmem:s0+$0xCF50] =	vst v0  }
0x1f1: {  	[tilespmem:s0+$0xCF60] =	vst v0  }
0x1f2: {  	[tilespmem:s0+$0xCF70] =	vst v0  }
0x1f3: {  	[tilespmem:s0+$0xC980] =	vst v0  }
0x1f4: {  	[tilespmem:s0+$0xC990] =	vst v0  }
0x1f5: {  	[tilespmem:s0+$0xC9A0] =	vst v0  }
0x1f6: {  	[tilespmem:s0+$0xC9B0] =	vst v0  }
0x1f7: {  	[tilespmem:s0+$0xC9C0] =	vst v0  }
0x1f8: {  	[tilespmem:s0+$0xC9D0] =	vst v0  }
0x1f9: {  	[tilespmem:s0+$0xC9E0] =	vst v0  }
0x1fa: {  	[tilespmem:s0+$0xC9F0] =	vst v0  }
0x1fb: {  	[tilespmem:s0+$0xCB80] =	vst v0  }
0x1fc: {  	[tilespmem:s0+$0xCB90] =	vst v0  }
0x1fd: {  	[tilespmem:s0+$0xCBA0] =	vst v0  }
0x1fe: {  	[tilespmem:s0+$0xCBB0] =	vst v0  }
0x1ff: {  	[tilespmem:s0+$0xCBC0] =	vst v0  }
0x200: {  	[tilespmem:s0+$0xCBD0] =	vst v0  }
0x201: {  	[tilespmem:s0+$0xCBE0] =	vst v0  }
0x202: {  	[tilespmem:s0+$0xCBF0] =	vst v0  }
0x203: {  	[tilespmem:s0+$0xCD80] =	vst v0  }
0x204: {  	[tilespmem:s0+$0xCD90] =	vst v0  }
0x205: {  	[tilespmem:s0+$0xCDA0] =	vst v0  }
0x206: {  	[tilespmem:s0+$0xCDB0] =	vst v0  }
0x207: {  	[tilespmem:s0+$0xCDC0] =	vst v0  }
0x208: {  	[tilespmem:s0+$0xCDD0] =	vst v0  }
0x209: {  	[tilespmem:s0+$0xCDE0] =	vst v0  }
0x20a: {  	[tilespmem:s0+$0xCDF0] =	vst v0  }
0x20b: {  	[tilespmem:s0+$0xCF80] =	vst v0  }
0x20c: {  	[tilespmem:s0+$0xCF90] =	vst v0  }
0x20d: {  	[tilespmem:s0+$0xCFA0] =	vst v0  }
0x20e: {  	[tilespmem:s0+$0xCFB0] =	vst v0  }
0x20f: {  	[tilespmem:s0+$0xCFC0] =	vst v0  }
0x210: {  	[tilespmem:s0+$0xCFD0] =	vst v0  }
0x211: {  	[tilespmem:s0+$0xCFE0] =	vst v0;
	s31 =	simm.s32 $0x0;
	s16 =	rddreg [dreg:$0x4]  }
0x212: {  	[tilespmem:s31], [sflag:$0x1] =	stream.linear.gather [hbm4b:s16+s31], $0x800, $0x38;
	[tilespmem:$0x17000] =	vst v63  }
0x213: {  	s17 =	rddreg [dreg:$0x5];
	s1 =	simm.s32 $0x800  }
0x214: {  	[tilespmem:s1], [sflag:$0x2] =	stream.linear.gather [hbm4b:s17+s31], $0x800, $0x38;
	[tilespmem:$0x17000] =	vst v63  }
.LBB2_6:
0x215: {  	p0 =	seq.s32 s31, $0x0  }
.Ltmp2:
0x216: {  	_ = 	snop;
	(pc) =	sbr.rel @p0 .LBB2_9-.Ltmp2, $1  }
0x217: {  	_ =	sdelay $0x3  }
0x218: {  	_ =	swait.ge [sflag:s26], $0xA800  }
0x219: {  	[sflag:s26] =	ssyncset.done $0x0  }
0x21a: {  	s0 =	simm.s32 $0x0;
	s1 =	simm.s32 $0x1020;
	[sflag:s26] =	ssyncadd.s32 $0xFFFF5800  }
.LBB2_8:
0x21b: {  	v3 =	vld [tilespmem:s1+$0xFFFFFFE0];
	_ =	sdelay $0x2  }
0x21c: {  	v4 =	vmov s0  }
0x21d: {  	v5 =	vshll.u32 v4, $0x2  }
0x21e: {  	v4 =	vshrl.u32 v4, $0x2;
	v5 =	vand.u32 $0x600, v5;
	v3 =	vshll.u32 v3, $0xB  }
0x21f: {  	v6 =	vor.u32 s0, v1;
	v4 =	vand.u32 $0x180, v4;
	v3 =	vor.u32 v5, v3  }
0x220: {  	v51 =	vand.u32 $0x4F, v6;
	v3 =	vor.u32 v4, v3  }
0x221: {  	v3 =	vor.u32 v51, v3;
	_ =	sdelay $0x4  }
0x222: {  	[tilespmem:v3+s20+$0x0] =	vst.idx.msk $0xffff, v0  }
0x223: {  	v3 =	vld [tilespmem:s1+$0xFFFFFFF0];
	_ =	sdelay $0x1  }
0x224: {  	s5 =	sadd.s32 $0x10, s0  }
0x225: {  	v52 =	vmov s5  }
0x226: {  	v53 =	vshll.u32 v52, $0x2  }
0x227: {  	v5 =	vand.u32 $0x600, v53;
	v4 =	vshrl.u32 v52, $0x2;
	v3 =	vshll.u32 v3, $0xB  }
0x228: {  	v54 =	vor.u32 s5, v1;
	v4 =	vand.u32 $0x180, v4;
	v3 =	vor.u32 v5, v3  }
0x229: {  	v55 =	vand.u32 $0x5F, v54;
	v3 =	vor.u32 v4, v3  }
0x22a: {  	v3 =	vor.u32 v55, v3;
	_ =	sdelay $0x4  }
0x22b: {  	[tilespmem:v3+s20+$0x0] =	vst.idx.msk $0xffff, v0  }
0x22c: {  	v3 =	vld [tilespmem:s1+$0x0];
	_ =	sdelay $0x1  }
0x22d: {  	s16 =	sadd.s32 $0x20, s0  }
0x22e: {  	v56 =	vmov s16  }
0x22f: {  	v57 =	vshll.u32 v56, $0x2  }
0x230: {  	v5 =	vand.u32 $0x600, v57;
	v4 =	vshrl.u32 v56, $0x2;
	v3 =	vshll.u32 v3, $0xB  }
0x231: {  	v58 =	vor.u32 s16, v1;
	v4 =	vand.u32 $0x180, v4;
	v3 =	vor.u32 v5, v3  }
0x232: {  	v59 =	vand.u32 $0x6F, v58;
	v3 =	vor.u32 v4, v3  }
0x233: {  	v3 =	vor.u32 v59, v3;
	_ =	sdelay $0x4  }
0x234: {  	[tilespmem:v3+s20+$0x0] =	vst.idx.msk $0xffff, v0  }
0x235: {  	v3 =	vld [tilespmem:s1+$0x10];
	_ =	sdelay $0x1  }
0x236: {  	s17 =	sadd.s32 $0x30, s0  }
0x237: {  	v60 =	vmov s17  }
0x238: {  	v61 =	vshll.u32 v60, $0x2  }
0x239: {  	v5 =	vand.u32 $0x600, v61;
	v4 =	vshrl.u32 v60, $0x2;
	v3 =	vshll.u32 v3, $0xB  }
0x23a: {  	v62 =	vor.u32 s17, v1;
	v4 =	vand.u32 $0x180, v4;
	v3 =	vor.u32 v5, v3  }
0x23b: {  	v63 =	vand.u32 $0x7F, v62;
	v3 =	vor.u32 v4, v3  }
0x23c: {  	p1 =	sne.s32 s0, $0x7C0;
	v3 =	vor.u32 v63, v3  }
.Ltmp3:
0x23d: {  	_ = 	snop;
	(pc) =	sbr.rel @p1 .LBB2_8-.Ltmp3, $2  }
0x23e: {  	_ =	sdelay $0x2  }
0x23f: {  	s0 =	sadd.s32 $0x40, s0;
	s1 =	sadd.s32 $0x40, s1;
	[tilespmem:v3+s20+$0x0] =	vst.idx.msk $0xffff, v0  }
.LBB2_9:
0x240: {  	s0 =	sshll.u32 s31, $0xD  }
0x241: {  	s1 =	sadd.s32 s7, s0  }
0x242: {  	s5 =	sshrl.u32 s1, $0x3  }
0x243: {  	s6 =	simm.s32 $0x0;
	s5 =	sadd.s32 s4, s5  }
0x244: {  	[tilespmem:s18], [sflag:$0x3] =	stream.linear.gather [hbm4b:s5+s6], $0x800, $0x38;
	[tilespmem:$0x17000] =	vst v63  }
0x245: {  	_ =	swait.ge [sflag:s19], $0x800  }
0x246: {  	[sflag:s19] =	ssyncset.done $0x0  }
0x247: {  	s16 =	simm.s32 $0x20;
	[sflag:s19] =	ssyncadd.s32 $0xFFFFF800  }
.LBB2_10:
0x248: {  	v3 =	vld [tilespmem:s16+$0xFFFFFFE0];
	_ =	sdelay $0x2  }
0x249: {  	v4 =	vmov s6  }
0x24a: {  	v5 =	vshll.u32 v4, $0x2  }
0x24b: {  	v4 =	vshrl.u32 v4, $0x2;
	v5 =	vand.u32 $0x600, v5;
	v3 =	vshll.u32 v3, $0xB  }
0x24c: {  	v6 =	vor.u32 s6, v1;
	v4 =	vand.u32 $0x180, v4;
	v3 =	vor.u32 v5, v3  }
0x24d: {  	v51 =	vand.u32 $0x4F, v6;
	v3 =	vor.u32 v4, v3  }
0x24e: {  	v3 =	vor.u32 v51, v3;
	_ =	sdelay $0x4  }
0x24f: {  	[tilespmem:v3+s20+$0x0] =	vst.idx.msk $0xffff, v2  }
0x250: {  	v3 =	vld [tilespmem:s16+$0xFFFFFFF0];
	_ =	sdelay $0x1  }
0x251: {  	s5 =	sadd.s32 $0x10, s6  }
0x252: {  	v52 =	vmov s5  }
0x253: {  	v53 =	vshll.u32 v52, $0x2  }
0x254: {  	v5 =	vand.u32 $0x600, v53;
	v4 =	vshrl.u32 v52, $0x2;
	v3 =	vshll.u32 v3, $0xB  }
0x255: {  	v54 =	vor.u32 s5, v1;
	v4 =	vand.u32 $0x180, v4;
	v3 =	vor.u32 v5, v3  }
0x256: {  	v55 =	vand.u32 $0x5F, v54;
	v3 =	vor.u32 v4, v3  }
0x257: {  	v3 =	vor.u32 v55, v3;
	_ =	sdelay $0x4  }
0x258: {  	[tilespmem:v3+s20+$0x0] =	vst.idx.msk $0xffff, v2  }
0x259: {  	v3 =	vld [tilespmem:s16+$0x0];
	_ =	sdelay $0x1  }
0x25a: {  	s3 =	sadd.s32 $0x20, s6  }
0x25b: {  	v56 =	vmov s3  }
0x25c: {  	v57 =	vshll.u32 v56, $0x2  }
0x25d: {  	v5 =	vand.u32 $0x600, v57;
	v4 =	vshrl.u32 v56, $0x2;
	v3 =	vshll.u32 v3, $0xB  }
0x25e: {  	v58 =	vor.u32 s3, v1;
	v4 =	vand.u32 $0x180, v4;
	v3 =	vor.u32 v5, v3  }
0x25f: {  	v59 =	vand.u32 $0x6F, v58;
	v3 =	vor.u32 v4, v3  }
0x260: {  	v3 =	vor.u32 v59, v3;
	_ =	sdelay $0x4  }
0x261: {  	[tilespmem:v3+s20+$0x0] =	vst.idx.msk $0xffff, v2  }
0x262: {  	v3 =	vld [tilespmem:s16+$0x10];
	_ =	sdelay $0x1  }
0x263: {  	s17 =	sadd.s32 $0x30, s6  }
0x264: {  	v60 =	vmov s17  }
0x265: {  	v61 =	vshll.u32 v60, $0x2  }
0x266: {  	v5 =	vand.u32 $0x600, v61;
	v4 =	vshrl.u32 v60, $0x2;
	v3 =	vshll.u32 v3, $0xB  }
0x267: {  	v62 =	vor.u32 s17, v1;
	v4 =	vand.u32 $0x180, v4;
	v3 =	vor.u32 v5, v3  }
0x268: {  	v63 =	vand.u32 $0x7F, v62;
	v3 =	vor.u32 v4, v3  }
0x269: {  	p1 =	sne.s32 s6, $0x7C0;
	v3 =	vor.u32 v63, v3  }
.Ltmp4:
0x26a: {  	_ = 	snop;
	(pc) =	sbr.rel @p1 .LBB2_10-.Ltmp4, $2  }
0x26b: {  	_ =	sdelay $0x2  }
0x26c: {  	s6 =	sadd.s32 $0x40, s6;
	s16 =	sadd.s32 $0x40, s16;
	[tilespmem:v3+s20+$0x0] =	vst.idx.msk $0xffff, v2  }
0x26d: {  	s5 =	sadd.s32 s0, s12  }
0x26e: {  	s6 =	sshrl.u32 s5, $0x3  }
0x26f: {  	s16 =	simm.s32 $0x2000;
	s5 =	sadd.s32 s2, s6  }
0x270: {  	[hbm4b:s5+s21] =	stream.strided.scatter [tilespmem:s16], [sflag:$0x5], $0x800, s22, s21, $0x38;
	[tilespmem:$0x17000] =	vst v63  }
0x271: {  	s16 =	simm.s32 $0x2000  }
.LBB2_12:
0x272: {  	p1 =	sne.s32 s16, $0x28000  }
.Ltmp5:
0x273: {  	_ = 	snop;
	(pc) =	sbr.rel @p1 .LBB2_12-.Ltmp5, $4  }
0x274: {  	_ = 	snop  }
0x275: {  	s17 =	sshra.s32 s16, $0x2;
	s16 =	sadd.s32 $0x2000, s16  }
0x276: {  	s5 =	sadd.s32 $0x8000, s5;
	s17 =	sadd.s32 $0x2000, s17  }
0x277: {  	[hbm4b:s5+s21] =	stream.strided.scatter [tilespmem:s17], [sflag:$0x5], $0x800, s22, s21, $0x38;
	[tilespmem:$0x17000] =	vst v63  }
.Ltmp6:
0x278: {  	(pc) =	sbr.rel @p0 .LBB2_16-.Ltmp6, $1  }
0x279: {  	_ =	sdelay $0x3  }
0x27a: {  	_ =	swait.ge [sflag:s29], $0xA800  }
0x27b: {  	[sflag:s29] =	ssyncset.done $0x0  }
0x27c: {  	s16 =	simm.s32 $0x0;
	s17 =	simm.s32 $0x1820;
	[sflag:s29] =	ssyncadd.s32 $0xFFFF5800  }
.LBB2_15:
0x27d: {  	v3 =	vld [tilespmem:s17+$0xFFFFFFE0];
	_ =	sdelay $0x2  }
0x27e: {  	v4 =	vmov s16  }
0x27f: {  	v5 =	vshll.u32 v4, $0x2  }
0x280: {  	v4 =	vshrl.u32 v4, $0x2;
	v5 =	vand.u32 $0x600, v5;
	v3 =	vshll.u32 v3, $0xB  }
0x281: {  	v6 =	vor.u32 s16, v1;
	v4 =	vand.u32 $0x180, v4;
	v3 =	vor.u32 v5, v3  }
0x282: {  	v51 =	vand.u32 $0x4F, v6;
	v3 =	vor.u32 v4, v3  }
0x283: {  	v3 =	vor.u32 v51, v3;
	_ =	sdelay $0x4  }
0x284: {  	[tilespmem:v3+s25+$0x0] =	vst.idx.msk $0xffff, v0  }
0x285: {  	v3 =	vld [tilespmem:s17+$0xFFFFFFF0];
	_ =	sdelay $0x1  }
0x286: {  	s5 =	sadd.s32 $0x10, s16  }
0x287: {  	v52 =	vmov s5  }
0x288: {  	v53 =	vshll.u32 v52, $0x2  }
0x289: {  	v5 =	vand.u32 $0x600, v53;
	v4 =	vshrl.u32 v52, $0x2;
	v3 =	vshll.u32 v3, $0xB  }
0x28a: {  	v54 =	vor.u32 s5, v1;
	v4 =	vand.u32 $0x180, v4;
	v3 =	vor.u32 v5, v3  }
0x28b: {  	v55 =	vand.u32 $0x5F, v54;
	v3 =	vor.u32 v4, v3  }
0x28c: {  	v3 =	vor.u32 v55, v3;
	_ =	sdelay $0x4  }
0x28d: {  	[tilespmem:v3+s25+$0x0] =	vst.idx.msk $0xffff, v0  }
0x28e: {  	v3 =	vld [tilespmem:s17+$0x0];
	_ =	sdelay $0x1  }
0x28f: {  	s3 =	sadd.s32 $0x20, s16  }
0x290: {  	v56 =	vmov s3  }
0x291: {  	v57 =	vshll.u32 v56, $0x2  }
0x292: {  	v5 =	vand.u32 $0x600, v57;
	v4 =	vshrl.u32 v56, $0x2;
	v3 =	vshll.u32 v3, $0xB  }
0x293: {  	v58 =	vor.u32 s3, v1;
	v4 =	vand.u32 $0x180, v4;
	v3 =	vor.u32 v5, v3  }
0x294: {  	v59 =	vand.u32 $0x6F, v58;
	v3 =	vor.u32 v4, v3  }
0x295: {  	v3 =	vor.u32 v59, v3;
	_ =	sdelay $0x4  }
0x296: {  	[tilespmem:v3+s25+$0x0] =	vst.idx.msk $0xffff, v0  }
0x297: {  	v3 =	vld [tilespmem:s17+$0x10];
	_ =	sdelay $0x1  }
0x298: {  	s3 =	sadd.s32 $0x30, s16  }
0x299: {  	v60 =	vmov s3  }
0x29a: {  	v61 =	vshll.u32 v60, $0x2  }
0x29b: {  	v5 =	vand.u32 $0x600, v61;
	v4 =	vshrl.u32 v60, $0x2;
	v3 =	vshll.u32 v3, $0xB  }
0x29c: {  	v62 =	vor.u32 s3, v1;
	v4 =	vand.u32 $0x180, v4;
	v3 =	vor.u32 v5, v3  }
0x29d: {  	v63 =	vand.u32 $0x7F, v62;
	v3 =	vor.u32 v4, v3  }
0x29e: {  	p0 =	sne.s32 s16, $0x7C0;
	v3 =	vor.u32 v63, v3  }
.Ltmp7:
0x29f: {  	_ = 	snop;
	(pc) =	sbr.rel @p0 .LBB2_15-.Ltmp7, $2  }
0x2a0: {  	_ =	sdelay $0x2  }
0x2a1: {  	s16 =	sadd.s32 $0x40, s16;
	s17 =	sadd.s32 $0x40, s17;
	[tilespmem:v3+s25+$0x0] =	vst.idx.msk $0xffff, v0  }
.LBB2_16:
0x2a2: {  	s17 =	sadd.s32 s9, s0  }
0x2a3: {  	s5 =	sshrl.u32 s17, $0x3  }
0x2a4: {  	s16 =	simm.s32 $0x0;
	s5 =	sadd.s32 s4, s5  }
0x2a5: {  	[tilespmem:s23], [sflag:$0x4] =	stream.linear.gather [hbm4b:s5+s16], $0x800, $0x38;
	[tilespmem:$0x17000] =	vst v63  }
0x2a6: {  	_ =	swait.ge [sflag:s24], $0x800  }
0x2a7: {  	[sflag:s24] =	ssyncset.done $0x0  }
0x2a8: {  	s5 =	simm.s32 $0x820;
	[sflag:s24] =	ssyncadd.s32 $0xFFFFF800  }
.LBB2_17:
0x2a9: {  	v3 =	vld [tilespmem:s5+$0xFFFFFFE0];
	_ =	sdelay $0x2  }
0x2aa: {  	v4 =	vmov s16  }
0x2ab: {  	v5 =	vshll.u32 v4, $0x2  }
0x2ac: {  	v4 =	vshrl.u32 v4, $0x2;
	v5 =	vand.u32 $0x600, v5;
	v3 =	vshll.u32 v3, $0xB  }
0x2ad: {  	v6 =	vor.u32 s16, v1;
	v4 =	vand.u32 $0x180, v4;
	v3 =	vor.u32 v5, v3  }
0x2ae: {  	v51 =	vand.u32 $0x4F, v6;
	v3 =	vor.u32 v4, v3  }
0x2af: {  	v3 =	vor.u32 v51, v3;
	_ =	sdelay $0x4  }
0x2b0: {  	[tilespmem:v3+s25+$0x0] =	vst.idx.msk $0xffff, v2  }
0x2b1: {  	v3 =	vld [tilespmem:s5+$0xFFFFFFF0];
	_ =	sdelay $0x1  }
0x2b2: {  	s3 =	sadd.s32 $0x10, s16  }
0x2b3: {  	v52 =	vmov s3  }
0x2b4: {  	v53 =	vshll.u32 v52, $0x2  }
0x2b5: {  	v5 =	vand.u32 $0x600, v53;
	v4 =	vshrl.u32 v52, $0x2;
	v3 =	vshll.u32 v3, $0xB  }
0x2b6: {  	v54 =	vor.u32 s3, v1;
	v4 =	vand.u32 $0x180, v4;
	v3 =	vor.u32 v5, v3  }
0x2b7: {  	v55 =	vand.u32 $0x5F, v54;
	v3 =	vor.u32 v4, v3  }
0x2b8: {  	v3 =	vor.u32 v55, v3;
	_ =	sdelay $0x4  }
0x2b9: {  	[tilespmem:v3+s25+$0x0] =	vst.idx.msk $0xffff, v2  }
0x2ba: {  	v3 =	vld [tilespmem:s5+$0x0];
	_ =	sdelay $0x1  }
0x2bb: {  	s3 =	sadd.s32 $0x20, s16  }
0x2bc: {  	v56 =	vmov s3  }
0x2bd: {  	v57 =	vshll.u32 v56, $0x2  }
0x2be: {  	v5 =	vand.u32 $0x600, v57;
	v4 =	vshrl.u32 v56, $0x2;
	v3 =	vshll.u32 v3, $0xB  }
0x2bf: {  	v58 =	vor.u32 s3, v1;
	v4 =	vand.u32 $0x180, v4;
	v3 =	vor.u32 v5, v3  }
0x2c0: {  	v59 =	vand.u32 $0x6F, v58;
	v3 =	vor.u32 v4, v3  }
0x2c1: {  	v3 =	vor.u32 v59, v3;
	_ =	sdelay $0x4  }
0x2c2: {  	[tilespmem:v3+s25+$0x0] =	vst.idx.msk $0xffff, v2  }
0x2c3: {  	v3 =	vld [tilespmem:s5+$0x10];
	_ =	sdelay $0x1  }
0x2c4: {  	s3 =	sadd.s32 $0x30, s16  }
0x2c5: {  	v60 =	vmov s3  }
0x2c6: {  	v61 =	vshll.u32 v60, $0x2  }
0x2c7: {  	v5 =	vand.u32 $0x600, v61;
	v4 =	vshrl.u32 v60, $0x2;
	v3 =	vshll.u32 v3, $0xB  }
0x2c8: {  	v62 =	vor.u32 s3, v1;
	v4 =	vand.u32 $0x180, v4;
	v3 =	vor.u32 v5, v3  }
0x2c9: {  	v63 =	vand.u32 $0x7F, v62;
	v3 =	vor.u32 v4, v3  }
0x2ca: {  	p0 =	sne.s32 s16, $0x7C0;
	v3 =	vor.u32 v63, v3  }
.Ltmp8:
0x2cb: {  	_ = 	snop;
	(pc) =	sbr.rel @p0 .LBB2_17-.Ltmp8, $2  }
0x2cc: {  	_ =	sdelay $0x2  }
0x2cd: {  	s16 =	sadd.s32 $0x40, s16;
	s5 =	sadd.s32 $0x40, s5;
	[tilespmem:v3+s25+$0x0] =	vst.idx.msk $0xffff, v2  }
0x2ce: {  	s5 =	sadd.s32 s6, s13;
	s3 =	simm.s32 $0xC800;
	s6 =	simm.s32 $0x2000  }
0x2cf: {  	[hbm4b:s5+s21] =	stream.strided.scatter [tilespmem:s3], [sflag:$0x6], $0x800, s22, s21, $0x38;
	[tilespmem:$0x17000] =	vst v63  }
.LBB2_19:
0x2d0: {  	p0 =	sne.s32 s6, $0x28000  }
.Ltmp9:
0x2d1: {  	_ = 	snop;
	(pc) =	sbr.rel @p0 .LBB2_19-.Ltmp9, $4  }
0x2d2: {  	_ = 	snop  }
0x2d3: {  	s3 =	sshra.s32 s6, $0x2;
	s6 =	sadd.s32 $0x2000, s6  }
0x2d4: {  	s5 =	sadd.s32 $0x8000, s5;
	s3 =	sadd.s32 $0xC800, s3  }
0x2d5: {  	[hbm4b:s5+s21] =	stream.strided.scatter [tilespmem:s3], [sflag:$0x6], $0x800, s22, s21, $0x38;
	[tilespmem:$0x17000] =	vst v63  }
0x2d6: {  	_ =	swait.ge [sflag:s26], $0xA800  }
0x2d7: {  	[sflag:s26] =	ssyncset.done $0x0  }
0x2d8: {  	s6 =	simm.s32 $0x0;
	s5 =	simm.s32 $0x20;
	[sflag:s26] =	ssyncadd.s32 $0xFFFF5800  }
.LBB2_21:
0x2d9: {  	v3 =	vld [tilespmem:s5+$0xFFFFFFE0];
	_ =	sdelay $0x2  }
0x2da: {  	v4 =	vmov s6  }
0x2db: {  	v5 =	vshll.u32 v4, $0x2  }
0x2dc: {  	v4 =	vshrl.u32 v4, $0x2;
	v5 =	vand.u32 $0x600, v5;
	v3 =	vshll.u32 v3, $0xB  }
0x2dd: {  	v6 =	vor.u32 s6, v1;
	v4 =	vand.u32 $0x180, v4;
	v3 =	vor.u32 v5, v3  }
0x2de: {  	v51 =	vand.u32 $0x4F, v6;
	v3 =	vor.u32 v4, v3  }
0x2df: {  	v3 =	vor.u32 v51, v3;
	_ =	sdelay $0x4  }
0x2e0: {  	[tilespmem:v3+s20+$0x0] =	vst.idx.msk $0xffff, v0  }
0x2e1: {  	v3 =	vld [tilespmem:s5+$0xFFFFFFF0];
	_ =	sdelay $0x1  }
0x2e2: {  	s3 =	sadd.s32 $0x10, s6  }
0x2e3: {  	v52 =	vmov s3  }
0x2e4: {  	v53 =	vshll.u32 v52, $0x2  }
0x2e5: {  	v5 =	vand.u32 $0x600, v53;
	v4 =	vshrl.u32 v52, $0x2;
	v3 =	vshll.u32 v3, $0xB  }
0x2e6: {  	v54 =	vor.u32 s3, v1;
	v4 =	vand.u32 $0x180, v4;
	v3 =	vor.u32 v5, v3  }
0x2e7: {  	v55 =	vand.u32 $0x5F, v54;
	v3 =	vor.u32 v4, v3  }
0x2e8: {  	v3 =	vor.u32 v55, v3;
	_ =	sdelay $0x4  }
0x2e9: {  	[tilespmem:v3+s20+$0x0] =	vst.idx.msk $0xffff, v0  }
0x2ea: {  	v3 =	vld [tilespmem:s5+$0x0];
	_ =	sdelay $0x1  }
0x2eb: {  	s16 =	sadd.s32 $0x20, s6  }
0x2ec: {  	v56 =	vmov s16  }
0x2ed: {  	v57 =	vshll.u32 v56, $0x2  }
0x2ee: {  	v5 =	vand.u32 $0x600, v57;
	v4 =	vshrl.u32 v56, $0x2;
	v3 =	vshll.u32 v3, $0xB  }
0x2ef: {  	v58 =	vor.u32 s16, v1;
	v4 =	vand.u32 $0x180, v4;
	v3 =	vor.u32 v5, v3  }
0x2f0: {  	v59 =	vand.u32 $0x6F, v58;
	v3 =	vor.u32 v4, v3  }
0x2f1: {  	v3 =	vor.u32 v59, v3;
	_ =	sdelay $0x4  }
0x2f2: {  	[tilespmem:v3+s20+$0x0] =	vst.idx.msk $0xffff, v0  }
0x2f3: {  	v3 =	vld [tilespmem:s5+$0x10];
	_ =	sdelay $0x1  }
0x2f4: {  	s16 =	sadd.s32 $0x30, s6  }
0x2f5: {  	v60 =	vmov s16  }
0x2f6: {  	v61 =	vshll.u32 v60, $0x2  }
0x2f7: {  	v5 =	vand.u32 $0x600, v61;
	v4 =	vshrl.u32 v60, $0x2;
	v3 =	vshll.u32 v3, $0xB  }
0x2f8: {  	v62 =	vor.u32 s16, v1;
	v4 =	vand.u32 $0x180, v4;
	v3 =	vor.u32 v5, v3  }
0x2f9: {  	v63 =	vand.u32 $0x7F, v62;
	v3 =	vor.u32 v4, v3  }
0x2fa: {  	p0 =	sne.s32 s6, $0x7C0;
	v3 =	vor.u32 v63, v3  }
.Ltmp10:
0x2fb: {  	_ = 	snop;
	(pc) =	sbr.rel @p0 .LBB2_21-.Ltmp10, $2  }
0x2fc: {  	_ =	sdelay $0x2  }
0x2fd: {  	s6 =	sadd.s32 $0x40, s6;
	s5 =	sadd.s32 $0x40, s5;
	[tilespmem:v3+s20+$0x0] =	vst.idx.msk $0xffff, v0  }
0x2fe: {  	p0 =	seq.s32 s31, $0x7  }
0x2ff: {  	s3 =	sadd.s32 @!p0 s0, s14  }
0x300: {  	s3 =	sshrl.u32 @!p0 s3, $0x3  }
0x301: {  	s5 =	simm.s32 @!p0 $0x0;
	s3 =	sadd.s32 @!p0 s4, s3  }
0x302: {  	[tilespmem:s5], [sflag:$0x1] =	stream.linear.gather @!p0 [hbm4b:s3+s5], $0x800, $0x38;
	[tilespmem:$0x17000] =	vst v63  }
0x303: {  	_ =	swait.ge [sflag:s28], $0x800  }
0x304: {  	[sflag:s28] =	ssyncset.done $0x0  }
0x305: {  	s6 =	simm.s32 $0x0;
	s5 =	simm.s32 $0x1020;
	[sflag:s28] =	ssyncadd.s32 $0xFFFFF800  }
.LBB2_23:
0x306: {  	v3 =	vld [tilespmem:s5+$0xFFFFFFE0];
	_ =	sdelay $0x2  }
0x307: {  	v4 =	vmov s6  }
0x308: {  	v5 =	vshll.u32 v4, $0x2  }
0x309: {  	v4 =	vshrl.u32 v4, $0x2;
	v5 =	vand.u32 $0x600, v5;
	v3 =	vshll.u32 v3, $0xB  }
0x30a: {  	v6 =	vor.u32 s6, v1;
	v4 =	vand.u32 $0x180, v4;
	v3 =	vor.u32 v5, v3  }
0x30b: {  	v51 =	vand.u32 $0x4F, v6;
	v3 =	vor.u32 v4, v3  }
0x30c: {  	v3 =	vor.u32 v51, v3;
	_ =	sdelay $0x4  }
0x30d: {  	[tilespmem:v3+s20+$0x0] =	vst.idx.msk $0xffff, v2  }
0x30e: {  	v3 =	vld [tilespmem:s5+$0xFFFFFFF0];
	_ =	sdelay $0x1  }
0x30f: {  	s3 =	sadd.s32 $0x10, s6  }
0x310: {  	v52 =	vmov s3  }
0x311: {  	v53 =	vshll.u32 v52, $0x2  }
0x312: {  	v5 =	vand.u32 $0x600, v53;
	v4 =	vshrl.u32 v52, $0x2;
	v3 =	vshll.u32 v3, $0xB  }
0x313: {  	v54 =	vor.u32 s3, v1;
	v4 =	vand.u32 $0x180, v4;
	v3 =	vor.u32 v5, v3  }
0x314: {  	v55 =	vand.u32 $0x5F, v54;
	v3 =	vor.u32 v4, v3  }
0x315: {  	v3 =	vor.u32 v55, v3;
	_ =	sdelay $0x4  }
0x316: {  	[tilespmem:v3+s20+$0x0] =	vst.idx.msk $0xffff, v2  }
0x317: {  	v3 =	vld [tilespmem:s5+$0x0];
	_ =	sdelay $0x1  }
0x318: {  	s16 =	sadd.s32 $0x20, s6  }
0x319: {  	v56 =	vmov s16  }
0x31a: {  	v57 =	vshll.u32 v56, $0x2  }
0x31b: {  	v5 =	vand.u32 $0x600, v57;
	v4 =	vshrl.u32 v56, $0x2;
	v3 =	vshll.u32 v3, $0xB  }
0x31c: {  	v58 =	vor.u32 s16, v1;
	v4 =	vand.u32 $0x180, v4;
	v3 =	vor.u32 v5, v3  }
0x31d: {  	v59 =	vand.u32 $0x6F, v58;
	v3 =	vor.u32 v4, v3  }
0x31e: {  	v3 =	vor.u32 v59, v3;
	_ =	sdelay $0x4  }
0x31f: {  	[tilespmem:v3+s20+$0x0] =	vst.idx.msk $0xffff, v2  }
0x320: {  	v3 =	vld [tilespmem:s5+$0x10];
	_ =	sdelay $0x1  }
0x321: {  	s16 =	sadd.s32 $0x30, s6  }
0x322: {  	v60 =	vmov s16  }
0x323: {  	v61 =	vshll.u32 v60, $0x2  }
0x324: {  	v5 =	vand.u32 $0x600, v61;
	v4 =	vshrl.u32 v60, $0x2;
	v3 =	vshll.u32 v3, $0xB  }
0x325: {  	v62 =	vor.u32 s16, v1;
	v4 =	vand.u32 $0x180, v4;
	v3 =	vor.u32 v5, v3  }
0x326: {  	v63 =	vand.u32 $0x7F, v62;
	v3 =	vor.u32 v4, v3  }
0x327: {  	p1 =	sne.s32 s6, $0x7C0;
	v3 =	vor.u32 v63, v3  }
.Ltmp11:
0x328: {  	_ = 	snop;
	(pc) =	sbr.rel @p1 .LBB2_23-.Ltmp11, $2  }
0x329: {  	_ =	sdelay $0x2  }
0x32a: {  	s6 =	sadd.s32 $0x40, s6;
	s5 =	sadd.s32 $0x40, s5;
	[tilespmem:v3+s20+$0x0] =	vst.idx.msk $0xffff, v2  }
0x32b: {  	s1 =	sadd.s32 s1, s8  }
0x32c: {  	s1 =	sshrl.u32 s1, $0x3  }
0x32d: {  	s3 =	simm.s32 $0x2000;
	s5 =	simm.s32 $0x2000;
	s1 =	sadd.s32 s2, s1  }
0x32e: {  	[hbm4b:s1+s21] =	stream.strided.scatter [tilespmem:s3], [sflag:$0x5], $0x800, s22, s21, $0x38;
	[tilespmem:$0x17000] =	vst v63  }
.LBB2_25:
0x32f: {  	p1 =	sne.s32 s5, $0x28000  }
.Ltmp12:
0x330: {  	_ = 	snop;
	(pc) =	sbr.rel @p1 .LBB2_25-.Ltmp12, $4  }
0x331: {  	_ = 	snop  }
0x332: {  	s3 =	sshra.s32 s5, $0x2;
	s5 =	sadd.s32 $0x2000, s5  }
0x333: {  	s1 =	sadd.s32 $0x8000, s1;
	s3 =	sadd.s32 $0x2000, s3  }
0x334: {  	[hbm4b:s1+s21] =	stream.strided.scatter [tilespmem:s3], [sflag:$0x5], $0x800, s22, s21, $0x38;
	[tilespmem:$0x17000] =	vst v63  }
0x335: {  	_ =	swait.ge [sflag:s29], $0xA800  }
0x336: {  	[sflag:s29] =	ssyncset.done $0x0  }
0x337: {  	s1 =	simm.s32 $0x0;
	s5 =	simm.s32 $0x820;
	[sflag:s29] =	ssyncadd.s32 $0xFFFF5800  }
.LBB2_27:
0x338: {  	v3 =	vld [tilespmem:s5+$0xFFFFFFE0];
	_ =	sdelay $0x2  }
0x339: {  	v4 =	vmov s1  }
0x33a: {  	v5 =	vshll.u32 v4, $0x2  }
0x33b: {  	v4 =	vshrl.u32 v4, $0x2;
	v5 =	vand.u32 $0x600, v5;
	v3 =	vshll.u32 v3, $0xB  }
0x33c: {  	v6 =	vor.u32 s1, v1;
	v4 =	vand.u32 $0x180, v4;
	v3 =	vor.u32 v5, v3  }
0x33d: {  	v51 =	vand.u32 $0x4F, v6;
	v3 =	vor.u32 v4, v3  }
0x33e: {  	v3 =	vor.u32 v51, v3;
	_ =	sdelay $0x4  }
0x33f: {  	[tilespmem:v3+s25+$0x0] =	vst.idx.msk $0xffff, v0  }
0x340: {  	v3 =	vld [tilespmem:s5+$0xFFFFFFF0];
	_ =	sdelay $0x1  }
0x341: {  	s3 =	sadd.s32 $0x10, s1  }
0x342: {  	v52 =	vmov s3  }
0x343: {  	v53 =	vshll.u32 v52, $0x2  }
0x344: {  	v5 =	vand.u32 $0x600, v53;
	v4 =	vshrl.u32 v52, $0x2;
	v3 =	vshll.u32 v3, $0xB  }
0x345: {  	v54 =	vor.u32 s3, v1;
	v4 =	vand.u32 $0x180, v4;
	v3 =	vor.u32 v5, v3  }
0x346: {  	v55 =	vand.u32 $0x5F, v54;
	v3 =	vor.u32 v4, v3  }
0x347: {  	v3 =	vor.u32 v55, v3;
	_ =	sdelay $0x4  }
0x348: {  	[tilespmem:v3+s25+$0x0] =	vst.idx.msk $0xffff, v0  }
0x349: {  	v3 =	vld [tilespmem:s5+$0x0];
	_ =	sdelay $0x1  }
0x34a: {  	s6 =	sadd.s32 $0x20, s1  }
0x34b: {  	v56 =	vmov s6  }
0x34c: {  	v57 =	vshll.u32 v56, $0x2  }
0x34d: {  	v5 =	vand.u32 $0x600, v57;
	v4 =	vshrl.u32 v56, $0x2;
	v3 =	vshll.u32 v3, $0xB  }
0x34e: {  	v58 =	vor.u32 s6, v1;
	v4 =	vand.u32 $0x180, v4;
	v3 =	vor.u32 v5, v3  }
0x34f: {  	v59 =	vand.u32 $0x6F, v58;
	v3 =	vor.u32 v4, v3  }
0x350: {  	v3 =	vor.u32 v59, v3;
	_ =	sdelay $0x4  }
0x351: {  	[tilespmem:v3+s25+$0x0] =	vst.idx.msk $0xffff, v0  }
0x352: {  	v3 =	vld [tilespmem:s5+$0x10];
	_ =	sdelay $0x1  }
0x353: {  	s16 =	sadd.s32 $0x30, s1  }
0x354: {  	v60 =	vmov s16  }
0x355: {  	v61 =	vshll.u32 v60, $0x2  }
0x356: {  	v5 =	vand.u32 $0x600, v61;
	v4 =	vshrl.u32 v60, $0x2;
	v3 =	vshll.u32 v3, $0xB  }
0x357: {  	v62 =	vor.u32 s16, v1;
	v4 =	vand.u32 $0x180, v4;
	v3 =	vor.u32 v5, v3  }
0x358: {  	v63 =	vand.u32 $0x7F, v62;
	v3 =	vor.u32 v4, v3  }
0x359: {  	p1 =	sne.s32 s1, $0x7C0;
	v3 =	vor.u32 v63, v3  }
.Ltmp13:
0x35a: {  	_ = 	snop;
	(pc) =	sbr.rel @p1 .LBB2_27-.Ltmp13, $2  }
0x35b: {  	_ =	sdelay $0x2  }
0x35c: {  	s1 =	sadd.s32 $0x40, s1;
	s5 =	sadd.s32 $0x40, s5;
	[tilespmem:v3+s25+$0x0] =	vst.idx.msk $0xffff, v0  }
0x35d: {  	s0 =	sadd.s32 @!p0 s0, s15  }
0x35e: {  	s0 =	sshrl.u32 @!p0 s0, $0x3  }
0x35f: {  	s1 =	simm.s32 @!p0 $0x0;
	s3 =	simm.s32 @!p0 $0x800;
	s0 =	sadd.s32 @!p0 s4, s0  }
0x360: {  	[tilespmem:s3], [sflag:$0x2] =	stream.linear.gather @!p0 [hbm4b:s0+s1], $0x800, $0x38;
	[tilespmem:$0x17000] =	vst v63  }
0x361: {  	_ =	swait.ge [sflag:s30], $0x800  }
0x362: {  	[sflag:s30] =	ssyncset.done $0x0  }
0x363: {  	s0 =	simm.s32 $0x0;
	s1 =	simm.s32 $0x1820;
	[sflag:s30] =	ssyncadd.s32 $0xFFFFF800  }
.LBB2_29:
0x364: {  	v3 =	vld [tilespmem:s1+$0xFFFFFFE0];
	_ =	sdelay $0x2  }
0x365: {  	v4 =	vmov s0  }
0x366: {  	v5 =	vshll.u32 v4, $0x2  }
0x367: {  	v4 =	vshrl.u32 v4, $0x2;
	v5 =	vand.u32 $0x600, v5;
	v3 =	vshll.u32 v3, $0xB  }
0x368: {  	v6 =	vor.u32 s0, v1;
	v4 =	vand.u32 $0x180, v4;
	v3 =	vor.u32 v5, v3  }
0x369: {  	v51 =	vand.u32 $0x4F, v6;
	v3 =	vor.u32 v4, v3  }
0x36a: {  	v3 =	vor.u32 v51, v3;
	_ =	sdelay $0x4  }
0x36b: {  	[tilespmem:v3+s25+$0x0] =	vst.idx.msk $0xffff, v2  }
0x36c: {  	v3 =	vld [tilespmem:s1+$0xFFFFFFF0];
	_ =	sdelay $0x1  }
0x36d: {  	s3 =	sadd.s32 $0x10, s0  }
0x36e: {  	v52 =	vmov s3  }
0x36f: {  	v53 =	vshll.u32 v52, $0x2  }
0x370: {  	v5 =	vand.u32 $0x600, v53;
	v4 =	vshrl.u32 v52, $0x2;
	v3 =	vshll.u32 v3, $0xB  }
0x371: {  	v54 =	vor.u32 s3, v1;
	v4 =	vand.u32 $0x180, v4;
	v3 =	vor.u32 v5, v3  }
0x372: {  	v55 =	vand.u32 $0x5F, v54;
	v3 =	vor.u32 v4, v3  }
0x373: {  	v3 =	vor.u32 v55, v3;
	_ =	sdelay $0x4  }
0x374: {  	[tilespmem:v3+s25+$0x0] =	vst.idx.msk $0xffff, v2  }
0x375: {  	v3 =	vld [tilespmem:s1+$0x0];
	_ =	sdelay $0x1  }
0x376: {  	s6 =	sadd.s32 $0x20, s0  }
0x377: {  	v56 =	vmov s6  }
0x378: {  	v57 =	vshll.u32 v56, $0x2  }
0x379: {  	v5 =	vand.u32 $0x600, v57;
	v4 =	vshrl.u32 v56, $0x2;
	v3 =	vshll.u32 v3, $0xB  }
0x37a: {  	v58 =	vor.u32 s6, v1;
	v4 =	vand.u32 $0x180, v4;
	v3 =	vor.u32 v5, v3  }
0x37b: {  	v59 =	vand.u32 $0x6F, v58;
	v3 =	vor.u32 v4, v3  }
0x37c: {  	v3 =	vor.u32 v59, v3;
	_ =	sdelay $0x4  }
0x37d: {  	[tilespmem:v3+s25+$0x0] =	vst.idx.msk $0xffff, v2  }
0x37e: {  	v3 =	vld [tilespmem:s1+$0x10];
	_ =	sdelay $0x1  }
0x37f: {  	s16 =	sadd.s32 $0x30, s0  }
0x380: {  	v60 =	vmov s16  }
0x381: {  	v61 =	vshll.u32 v60, $0x2  }
0x382: {  	v5 =	vand.u32 $0x600, v61;
	v4 =	vshrl.u32 v60, $0x2;
	v3 =	vshll.u32 v3, $0xB  }
0x383: {  	v62 =	vor.u32 s16, v1;
	v4 =	vand.u32 $0x180, v4;
	v3 =	vor.u32 v5, v3  }
0x384: {  	v63 =	vand.u32 $0x7F, v62;
	v3 =	vor.u32 v4, v3  }
0x385: {  	p0 =	sne.s32 s0, $0x7C0;
	v3 =	vor.u32 v63, v3  }
.Ltmp14:
0x386: {  	_ = 	snop;
	(pc) =	sbr.rel @p0 .LBB2_29-.Ltmp14, $2  }
0x387: {  	_ =	sdelay $0x2  }
0x388: {  	s0 =	sadd.s32 $0x40, s0;
	s1 =	sadd.s32 $0x40, s1;
	[tilespmem:v3+s25+$0x0] =	vst.idx.msk $0xffff, v2  }
0x389: {  	s0 =	ssub.s32 s17, s11  }
0x38a: {  	s0 =	sand.u32 $0xFFFFF000, s0  }
0x38b: {  	s0 =	sadd.s32 s10, s0  }
0x38c: {  	s0 =	sshrl.u32 s0, $0x3  }
0x38d: {  	s1 =	simm.s32 $0xC800;
	s0 =	sadd.s32 s0, s13  }
0x38e: {  	[hbm4b:s0+s21] =	stream.strided.scatter [tilespmem:s1], [sflag:$0x6], $0x800, s22, s21, $0x38;
	[tilespmem:$0x17000] =	vst v63  }
0x38f: {  	s1 =	simm.s32 $0x2000  }
.LBB2_31:
0x390: {  	p0 =	sne.s32 s1, $0x28000  }
.Ltmp15:
0x391: {  	_ = 	snop;
	(pc) =	sbr.rel @p0 .LBB2_31-.Ltmp15, $4  }
0x392: {  	_ = 	snop  }
0x393: {  	s3 =	sshra.s32 s1, $0x2;
	s1 =	sadd.s32 $0x2000, s1  }
0x394: {  	s0 =	sadd.s32 $0x8000, s0;
	s3 =	sadd.s32 $0xC800, s3  }
0x395: {  	[hbm4b:s0+s21] =	stream.strided.scatter [tilespmem:s3], [sflag:$0x6], $0x800, s22, s21, $0x38;
	[tilespmem:$0x17000] =	vst v63  }
0x396: {  	s31 =	sadd.s32 $0x1, s31  }
0x397: {  	p0 =	sne.s32 s31, $0x8  }
.Ltmp16:
0x398: {  	_ = 	snop;
	(pc) =	sbr.rel @p0 .LBB2_6-.Ltmp16, $1  }
0x399: {  	_ =	sdelay $0x3  }
0x39a: {  	_ =	swait.ge [sflag:s26], $0xA800  }
0x39b: {  	[sflag:s26] =	ssyncset.done $0x0  }
0x39c: {  	[sflag:s26] =	ssyncadd.s32 $0xFFFF5800  }
0x39d: {  	_ =	swait.ge [sflag:s29], $0xA800  }
0x39e: {  	s16 =	rddreg [dreg:$0x3]  }
0x39f: {  	s0 =	rddreg [dreg:$0x6];
	s16 =	sadd.s32 $0x1, s16  }
0x3a0: {  	p0 =	sne.s32 s16, s0  }
.Ltmp17:
0x3a1: {  	_ = 	snop;
	(pc) =	sbr.rel @p0 .LBB2_1-.Ltmp17, $3  }
0x3a2: {  	_ =	sdelay $0x1  }
0x3a3: {  	[sflag:s29] =	ssyncset.done $0x0  }
0x3a4: {  	[sflag:s29] =	ssyncadd.s32 $0xFFFF5800  }
0x3a5: {  	_ =	sfence.sel $0x180000  }
0x3a6: {  	[bflag:$0x0] =	sbarrier.arrive $0xFFFF  }
0x3a7: {  	_ =	strace $0x90000047  }
0x3a8: {  	s0 =	stileid.u32;
	[bflag:$0x2] =	sbarrier.arrive $0xFFFF  }
0x3a9: {  	p0 =	sne.s32 s0, $0x0;
	s0 =	rddreg [dreg:$0x2]  }
0x3aa: {  	s0 =	sadd.s32 @!p0 $0x100000, s0  }
0x3ab: {  	[sflag:s0] =	ssyncadd.tile.s32 @!p0 $0x1;
	_ =	shalt  }
.Lfunc_end2:
_tile_overlayer_lowered:
.L_overlay_start_2:
0x3ac: {  	(tag) =	ssettag $0x2  }
0x3ad: {  	s0 =	rddreg [dreg:$0x0];
	s2 =	stileid.u32  }
0x3ae: {  	s1 =	rddreg [dreg:$0x1];
	p0 =	sne.s32 s2, $0x0  }
0x3af: {  	s3 =	rddreg [dreg:$0x2];
	[bflag:$0x3] =	sbarrier.arrive $0xFFFF;
	s2 =	simm.s32 @!p0 $0x1C07  }
0x3b0: {  	[timem:s3], [sflag:s2] =	dma.local @!p0 [hbm:s0], s1  }
0x3b1: {  	s0 =	simm.s32 @!p0 $0x7  }
0x3b2: {  	_ =	swait.ge @!p0 [sflag:s0], s1  }
0x3b3: {  	s1 =	ssub.s32 @!p0 $0x0, s1;
	[sflag:s0] =	ssyncset.done @!p0 $0x0  }
0x3b4: {  	[sflag:s0] =	ssyncadd.s32 @!p0 s1  }
0x3b5: {  	[bflag:$0x3] =	sbarrier.arrive $0xFFFF  }
0x3b6: {  	_ =	shalt  }

</sc_bundles>
